<compile_context>
chip_gen: v7x
topology: tpu7x:2x2x1
jax: 0.10.2.dev20260603
libtpu: 0.0.44.dev20260713+nightly
codegen_flags: <defaults>
</compile_context>

<pallas_src>
import functools

import jax
import jax.numpy as jnp
from jax import lax
from jax.experimental import pallas as pl
from jax.experimental.pallas import tpu as pltpu
from jax.experimental.pallas import tpu_sc as plsc

DIM = 128
EDIM = 16
NB = 1000
TB = 1000
BLK = 128
NW = 32



def _node_tables_body(h_ref, wnode_ref, w1d_ref, nbias_ref, t1_ref, t2_ref):
    h = h_ref[...]
    proj = jnp.dot(h, wnode_ref[...], preferred_element_type=jnp.float32)
    hs = proj[:, :DIM] + nbias_ref[0:1, :DIM]
    hm = proj[:, DIM:2 * DIM] + nbias_ref[0:1, DIM:2 * DIM]
    hd = proj[:, 2 * DIM:] + nbias_ref[0:1, 2 * DIM:]
    q = jnp.dot(hm, w1d_ref[...], preferred_element_type=jnp.float32)
    t1_ref[...] = jnp.concatenate([hs, hm], axis=1)
    t2_ref[...] = jnp.concatenate(
        [hd, q, jnp.zeros((h.shape[0], DIM - EDIM), jnp.float32)], axis=1)



def _edge_body(gs_ref, gd_ref, e_ref, egw_ref, w1e_ref, w1s_ref,
               w2_ref, evec_ref, m_ref, enew_ref):
    e = e_ref[...]
    eg = jnp.dot(e, egw_ref[...], preferred_element_type=jnp.float32)
    eg = eg + evec_ref[0:1, :DIM]
    gl = gs_ref[:, :DIM] + gd_ref[:, :DIM] + eg
    gate = jax.nn.sigmoid(gl)
    m_ref[...] = gate * gs_ref[:, DIM:]

    hid = jnp.dot(e, w1e_ref[...], preferred_element_type=jnp.float32)
    hid = hid + jnp.dot(gs_ref[:, DIM:], w1s_ref[...],
                        preferred_element_type=jnp.float32)
    hid = hid + gd_ref[:, DIM:DIM + EDIM]
    hid = hid + evec_ref[0:1, DIM:DIM + EDIM]
    act = hid * jax.nn.sigmoid(hid)
    eu = jnp.dot(act, w2_ref[...], preferred_element_type=jnp.float32)
    eu = eu + evec_ref[0:1, DIM + EDIM:DIM + 2 * EDIM]
    r = e + eu
    mu = jnp.mean(r, axis=1, keepdims=True)
    var = jnp.mean((r - mu) ** 2, axis=1, keepdims=True)
    g = evec_ref[0:1, DIM + 2 * EDIM:DIM + 3 * EDIM]
    b = evec_ref[0:1, DIM + 3 * EDIM:DIM + 4 * EDIM]
    enew_ref[...] = (r - mu) * lax.rsqrt(var + 1e-5) * g + b



def _node_update_body(h_ref, agg_ref, w1_ref, w2_ref, vec_ref, out_ref):
    h = h_ref[...]
    agg = agg_ref[0] + agg_ref[1]
    nu_in = jnp.concatenate([h, agg], axis=1)
    t = jnp.dot(nu_in, w1_ref[...], preferred_element_type=jnp.float32)
    t = t + vec_ref[0:1, :DIM]
    t = t * jax.nn.sigmoid(t)
    nu = jnp.dot(t, w2_ref[...], preferred_element_type=jnp.float32)
    nu = nu + vec_ref[0:1, DIM:2 * DIM]
    r = h + nu
    mu = jnp.mean(r, axis=1, keepdims=True)
    var = jnp.mean((r - mu) ** 2, axis=1, keepdims=True)
    g = vec_ref[0:1, 2 * DIM:3 * DIM]
    b = vec_ref[0:1, 3 * DIM:]
    out_ref[...] = (r - mu) * lax.rsqrt(var + 1e-5) * g + b



def _block_range(wid, nblk):
    nfull = nblk // NW
    extra = nblk - nfull * NW
    start = wid * nfull + jnp.minimum(wid, extra)
    cnt = nfull + jnp.where(wid < extra, 1, 0)
    return start, cnt


def _sc_gather_body(src_hbm, dst_hbm, t1_hbm, t2_hbm,
                    gs_hbm, gd_hbm,
                    idx_s, idx_d, r1, r2, sem, *, nblk):
    wid = lax.axis_index("s") * 2 + lax.axis_index("c")
    start, cnt = _block_range(wid, nblk)

    def body(k, carry):
        base = (start + k) * BLK
        pltpu.sync_copy(src_hbm.at[pl.ds(base, BLK)], idx_s)
        pltpu.sync_copy(dst_hbm.at[pl.ds(base, BLK)], idx_d)
        cp1 = pltpu.async_copy(t1_hbm.at[idx_s], r1, sem)
        cp2 = pltpu.async_copy(t2_hbm.at[idx_d], r2, sem)
        cp1.wait()
        cp2.wait()
        pltpu.sync_copy(r1, gs_hbm.at[pl.ds(base, BLK)])
        pltpu.sync_copy(r2, gd_hbm.at[pl.ds(base, BLK)])
        return carry

    lax.fori_loop(0, cnt, body, 0)


def _sc_scatter_body(dst_hbm, m_hbm, z_hbm, out_hbm,
                     agg_s, idx, mrows, sem, *, nblk, n_nodes):
    cid = lax.axis_index("c")
    sid = lax.axis_index("s")
    wid = sid * 2 + cid
    rows_per = ((n_nodes // 16 + 7) // 8) * 8
    tail = n_nodes - 15 * rows_per

    @pl.when(sid < 15)
    def _():
        pltpu.sync_copy(z_hbm, agg_s.at[pl.ds(sid * rows_per, rows_per)])

    @pl.when(sid == 15)
    def _():
        pltpu.sync_copy(z_hbm.at[pl.ds(0, tail)],
                        agg_s.at[pl.ds(15 * rows_per, tail)])

    plsc.subcore_barrier()

    start, cnt = _block_range(wid, nblk)

    def body(k, carry):
        base = (start + k) * BLK
        pltpu.sync_copy(dst_hbm.at[pl.ds(base, BLK)], idx)
        pltpu.sync_copy(m_hbm.at[pl.ds(base, BLK)], mrows)
        pltpu.sync_copy(mrows, agg_s.at[idx], add=True)
        return carry

    lax.fori_loop(0, cnt, body, 0)
    plsc.subcore_barrier()

    @pl.when(sid < 15)
    def _():
        pltpu.sync_copy(agg_s.at[pl.ds(sid * rows_per, rows_per)],
                        out_hbm.at[cid, pl.ds(sid * rows_per, rows_per)])

    @pl.when(sid == 15)
    def _():
        pltpu.sync_copy(agg_s.at[pl.ds(15 * rows_per, tail)],
                        out_hbm.at[cid, pl.ds(15 * rows_per, tail)])



def kernel(h, e, edge_index, params):
    n_nodes, _ = h.shape
    n_edges = e.shape[0]
    nblk = n_edges // BLK

    src = edge_index[0].astype(jnp.int32)
    dst = edge_index[1].astype(jnp.int32)

    wnode = jnp.concatenate(
        [params['src_W'].T, params['msg_W'].T, params['dst_W'].T], axis=1)
    nbias = jnp.concatenate(
        [params['src_b'], params['msg_b'], params['dst_b']])[None, :]
    w1 = params['eu_W1']
    egw = params['eg_W'].T
    w1e = w1[:, :EDIM].T
    w1s = w1[:, EDIM:EDIM + DIM].T
    w1d = w1[:, EDIM + DIM:].T
    w2 = params['eu_W2'].T
    evec = jnp.concatenate(
        [params['eg_b'], params['eu_b1'], params['eu_b2'],
         params['en_g'], params['en_b']])[None, :]
    nw1 = params['nu_W1'].T
    nw2 = params['nu_W2'].T
    nvec = jnp.concatenate(
        [params['nu_b1'], params['nu_b2'],
         params['nn_g'], params['nn_b']])[None, :]

    f32 = jnp.float32

    t1, t2 = pl.pallas_call(
        _node_tables_body,
        grid=(n_nodes // NB,),
        in_specs=[
            pl.BlockSpec((NB, DIM), lambda i: (i, 0)),
            pl.BlockSpec((DIM, 3 * DIM), lambda i: (0, 0)),
            pl.BlockSpec((DIM, EDIM), lambda i: (0, 0)),
            pl.BlockSpec((1, 3 * DIM), lambda i: (0, 0)),
        ],
        out_specs=[
            pl.BlockSpec((NB, 2 * DIM), lambda i: (i, 0)),
            pl.BlockSpec((NB, 2 * DIM), lambda i: (i, 0)),
        ],
        out_shape=[
            jax.ShapeDtypeStruct((n_nodes, 2 * DIM), f32),
            jax.ShapeDtypeStruct((n_nodes, 2 * DIM), f32),
        ],
    )(h, wnode, w1d, nbias)

    mesh = plsc.VectorSubcoreMesh(core_axis_name="c", subcore_axis_name="s")
    gather = pl.kernel(
        functools.partial(_sc_gather_body, nblk=nblk),
        mesh=mesh,
        out_type=[
            jax.ShapeDtypeStruct((n_edges, 2 * DIM), f32),
            jax.ShapeDtypeStruct((n_edges, 2 * DIM), f32),
        ],
        scratch_types=[
            pltpu.VMEM((BLK,), jnp.int32),
            pltpu.VMEM((BLK,), jnp.int32),
            pltpu.VMEM((BLK, 2 * DIM), f32),
            pltpu.VMEM((BLK, 2 * DIM), f32),
            pltpu.SemaphoreType.DMA,
        ],
    )
    gs, gd = gather(src, dst, t1, t2)

    m, e_new = pl.pallas_call(
        _edge_body,
        grid=(n_edges // TB,),
        in_specs=[
            pl.BlockSpec((TB, 2 * DIM), lambda i: (i, 0)),
            pl.BlockSpec((TB, 2 * DIM), lambda i: (i, 0)),
            pl.BlockSpec((TB, EDIM), lambda i: (i, 0)),
            pl.BlockSpec((EDIM, DIM), lambda i: (0, 0)),
            pl.BlockSpec((EDIM, EDIM), lambda i: (0, 0)),
            pl.BlockSpec((DIM, EDIM), lambda i: (0, 0)),
            pl.BlockSpec((EDIM, EDIM), lambda i: (0, 0)),
            pl.BlockSpec((1, DIM + 4 * EDIM), lambda i: (0, 0)),
        ],
        out_specs=[
            pl.BlockSpec((TB, DIM), lambda i: (i, 0)),
            pl.BlockSpec((TB, EDIM), lambda i: (i, 0)),
        ],
        out_shape=[
            jax.ShapeDtypeStruct((n_edges, DIM), f32),
            jax.ShapeDtypeStruct((n_edges, EDIM), f32),
        ],
    )(gs, gd, e, egw, w1e, w1s, w2, evec)

    z = jnp.zeros((((n_nodes // 16 + 7) // 8) * 8, DIM), f32)
    scatter = pl.kernel(
        functools.partial(_sc_scatter_body, nblk=nblk, n_nodes=n_nodes),
        mesh=mesh,
        out_type=jax.ShapeDtypeStruct((2, n_nodes, DIM), f32),
        scratch_types=[
            pltpu.VMEM_SHARED((n_nodes, DIM), f32),
            pltpu.VMEM((BLK,), jnp.int32),
            pltpu.VMEM((BLK, DIM), f32),
            pltpu.SemaphoreType.DMA,
        ],
    )
    agg_parts = scatter(dst, m, z)

    h_new = pl.pallas_call(
        _node_update_body,
        grid=(n_nodes // NB,),
        in_specs=[
            pl.BlockSpec((NB, DIM), lambda i: (i, 0)),
            pl.BlockSpec((2, NB, DIM), lambda i: (0, i, 0)),
            pl.BlockSpec((2 * DIM, DIM), lambda i: (0, 0)),
            pl.BlockSpec((DIM, DIM), lambda i: (0, 0)),
            pl.BlockSpec((1, 4 * DIM), lambda i: (0, 0)),
        ],
        out_specs=pl.BlockSpec((NB, DIM), lambda i: (i, 0)),
        out_shape=jax.ShapeDtypeStruct((n_nodes, DIM), f32),
    )(h, agg_parts, nw1, nw2, nvec)

    return (h_new, e_new)

# --- scband reference (transcript-rebuilt; emitter-appended) ---
"""Pipeline reference for scband-edge-gated-graph-conv-31490700214962 (READ-ONLY COPY).

The authoritative reference and input builder live on the scoring server;
editing this copy changes nothing except your own understanding.
"""

import jax, jax.numpy as jnp
import numpy as np

DIM = 128
EDGE_DIM = 16
N = 10000
E = 320000


def _lin(x, W, b):
    return x @ W.T + b


def _silu(x):
    return x * jax.nn.sigmoid(x)


def _ln(x, g, b, eps=1e-5):
    mu = jnp.mean(x, axis=-1, keepdims=True)
    var = jnp.var(x, axis=-1, keepdims=True)
    return (x - mu) / jnp.sqrt(var + eps) * g + b


def setup_inputs(seed: int = 0) -> dict:
    key = jax.random.key(seed)
    ks = jax.random.split(key, 24)
    h = jax.random.normal(ks[0], (N, DIM), dtype=jnp.float32)
    e = jax.random.normal(ks[1], (E, EDGE_DIM), dtype=jnp.float32)
    edge_index = jax.random.randint(ks[2], (2, E), 0, N)

    def w(k, out_f, in_f):
        return jax.random.normal(k, (out_f, in_f), dtype=jnp.float32) / np.sqrt(in_f)

    def b(k, out_f):
        return jax.random.normal(k, (out_f,), dtype=jnp.float32) * 0.01

    params = {
        'src_W': w(ks[3], DIM, DIM), 'src_b': b(ks[4], DIM),
        'dst_W': w(ks[5], DIM, DIM), 'dst_b': b(ks[6], DIM),
        'eg_W': w(ks[7], DIM, EDGE_DIM), 'eg_b': b(ks[8], DIM),
        'msg_W': w(ks[9], DIM, DIM), 'msg_b': b(ks[10], DIM),
        'nu_W1': w(ks[11], DIM, 2 * DIM), 'nu_b1': b(ks[12], DIM),
        'nu_W2': w(ks[13], DIM, DIM), 'nu_b2': b(ks[14], DIM),
        'eu_W1': w(ks[15], EDGE_DIM, EDGE_DIM + 2 * DIM), 'eu_b1': b(ks[16], EDGE_DIM),
        'eu_W2': w(ks[17], EDGE_DIM, EDGE_DIM), 'eu_b2': b(ks[18], EDGE_DIM),
        'nn_g': jnp.ones((DIM,), jnp.float32), 'nn_b': jnp.zeros((DIM,), jnp.float32),
        'en_g': jnp.ones((EDGE_DIM,), jnp.float32), 'en_b': jnp.zeros((EDGE_DIM,), jnp.float32),
    }
    return {'h': h, 'e': e, 'edge_index': edge_index, 'params': params}


def reference(h, e, edge_index, params):
    src = edge_index[0]
    dst = edge_index[1]
    h_src = jnp.take(h, src, axis=0)
    h_dst = jnp.take(h, dst, axis=0)
    gate_logits = (_lin(h_src, params['src_W'], params['src_b'])
                   + _lin(h_dst, params['dst_W'], params['dst_b'])
                   + _lin(e, params['eg_W'], params['eg_b']))
    src_msg = _lin(h_src, params['msg_W'], params['msg_b'])
    gate = jax.nn.sigmoid(gate_logits)
    m = gate * src_msg
    agg = jax.ops.segment_sum(m, dst, num_segments=h.shape[0])
    nu_in = jnp.concatenate([h, agg], axis=-1)
    nu = _lin(_silu(_lin(nu_in, params['nu_W1'], params['nu_b1'])), params['nu_W2'], params['nu_b2'])
    h_new = _ln(h + nu, params['nn_g'], params['nn_b'])
    dst_msg = _lin(h_dst, params['msg_W'], params['msg_b'])
    e_input = jnp.concatenate([e, src_msg, dst_msg], axis=-1)
    eu = _lin(_silu(_lin(e_input, params['eu_W1'], params['eu_b1'])), params['eu_W2'], params['eu_b2'])
    e_new = _ln(e + eu, params['en_g'], params['en_b'])
    return (h_new, e_new)

if __name__ == "__main__":
    import jax
    _d = setup_inputs()
    print(jax.jit(kernel)(*tuple(_d.values())))

</pallas_src>

<mosaic_0001>
#map = affine_map<(d0, d1) -> (0)>
#map1 = affine_map<(d0, d1) -> (0, 0)>
#map2 = affine_map<(d0, d1) -> (0, 0, 0)>
module attributes {stable_mosaic.version = 14 : i64} {
  func.func @_sc_scatter_body(%arg0: i32, %arg1: i32, %arg2: memref<320000xi32, #tpu.memory_space<hbm>>, %arg3: memref<320000x128xf32, #tpu.memory_space<hbm>>, %arg4: memref<632x128xf32, #tpu.memory_space<hbm>>, %arg5: memref<2x10000x128xf32, #tpu.memory_space<hbm>>, %arg6: memref<10000x128xf32, #tpu.memory_space<vmem_shared>>, %arg7: memref<128xi32, #tpu.memory_space<vmem>>, %arg8: memref<128x128xf32, #tpu.memory_space<vmem>>, %arg9: memref<!tpu.dma_semaphore, #tpu.memory_space<semaphore_mem>>) attributes {dimension_semantics = [#tpu.dimension_semantics<core_parallel>, #tpu.dimension_semantics<subcore_parallel>], iteration_bounds = array<i64: 2, 16>, scalar_prefetch = 0 : i64, scratch_operands = 4 : i64, tpu.core_type = #tpu.core_type<sc_vector_subcore>, window_params = [{transform_indices = #map}, {transform_indices = #map1}, {transform_indices = #map1}, {transform_indices = #map2}]} {
    %mul3A = arith.constant 2 : i32
    %mul3A_0 = arith.muli %arg1, %mul3A : i32
    %add3A = arith.addi %mul3A_0, %arg0 : i32
    %lt3A = arith.constant 15 : i32
    %lt3A_1 = arith.cmpi slt, %arg1, %lt3A : i32
    %convert_element_type3A = arith.extui %lt3A_1 : i1 to i32
    %cond3A = arith.constant 0 : i32
    %cond3A_2 = arith.cmpi ne, %convert_element_type3A, %cond3A : i32
    scf.if %cond3A_2 {
      %mul3A_36 = arith.constant 632 : i32
      %mul3A_37 = arith.muli %arg1, %mul3A_36 : i32
      "tpu.region"() ({
        %run_scoped3A = tpu.sem_alloc : memref<!tpu.dma_semaphore, #tpu.memory_space<semaphore_mem>>
        %dma_start3A = arith.constant 0 : i32
        %dma_start3A_38 = tpu.memref_slice %arg6[%mul3A_37, %dma_start3A] : memref<10000x128xf32, #tpu.memory_space<vmem_shared>> -> memref<632x128xf32, #tpu.memory_space<vmem_shared>>
        tpu.enqueue_dma source(%arg4 : memref<632x128xf32, #tpu.memory_space<hbm>>) target(%dma_start3A_38 : memref<632x128xf32, #tpu.memory_space<vmem_shared>>) target_semaphore(%run_scoped3A : memref<!tpu.dma_semaphore, #tpu.memory_space<semaphore_mem>>)
        %dma_wait3A = arith.constant 0 : i32
        %dma_wait3A_39 = tpu.memref_slice %arg6[%mul3A_37, %dma_wait3A] : memref<10000x128xf32, #tpu.memory_space<vmem_shared>> -> memref<632x128xf32, #tpu.memory_space<vmem_shared>>
        tpu.wait_dma2 semaphore(%run_scoped3A : memref<!tpu.dma_semaphore, #tpu.memory_space<semaphore_mem>>) src(%arg4 : memref<632x128xf32, #tpu.memory_space<hbm>>) dst(%dma_wait3A_39 : memref<632x128xf32, #tpu.memory_space<vmem_shared>>)
        tpu.yield
      }) : () -> ()
    } else {
    }
    %eq3A = arith.constant 15 : i32
    %eq3A_3 = arith.cmpi eq, %arg1, %eq3A : i32
    %convert_element_type3A_4 = arith.extui %eq3A_3 : i1 to i32
    %cond3A_5 = arith.constant 0 : i32
    %cond3A_6 = arith.cmpi ne, %convert_element_type3A_4, %cond3A_5 : i32
    scf.if %cond3A_6 {
      "tpu.region"() ({
        %run_scoped3A = tpu.sem_alloc : memref<!tpu.dma_semaphore, #tpu.memory_space<semaphore_mem>>
        %dma_start3A = arith.constant 9480 : i32
        %dma_start3A_36 = arith.constant 0 : i32
        %dma_start3A_37 = tpu.memref_slice %arg6[%dma_start3A, %dma_start3A_36] : memref<10000x128xf32, #tpu.memory_space<vmem_shared>> -> memref<520x128xf32, #tpu.memory_space<vmem_shared>>
        %dma_start3A_38 = arith.constant 0 : i32
        %dma_start3A_39 = arith.constant 0 : i32
        %dma_start3A_40 = tpu.memref_slice %arg4[%dma_start3A_38, %dma_start3A_39] : memref<632x128xf32, #tpu.memory_space<hbm>> -> memref<520x128xf32, #tpu.memory_space<hbm>>
        tpu.enqueue_dma source(%dma_start3A_40 : memref<520x128xf32, #tpu.memory_space<hbm>>) target(%dma_start3A_37 : memref<520x128xf32, #tpu.memory_space<vmem_shared>>) target_semaphore(%run_scoped3A : memref<!tpu.dma_semaphore, #tpu.memory_space<semaphore_mem>>)
        %dma_wait3A = arith.constant 9480 : i32
        %dma_wait3A_41 = arith.constant 0 : i32
        %dma_wait3A_42 = tpu.memref_slice %arg6[%dma_wait3A, %dma_wait3A_41] : memref<10000x128xf32, #tpu.memory_space<vmem_shared>> -> memref<520x128xf32, #tpu.memory_space<vmem_shared>>
        %dma_wait3A_43 = arith.constant 0 : i32
        %dma_wait3A_44 = arith.constant 0 : i32
        %dma_wait3A_45 = tpu.memref_slice %arg4[%dma_wait3A_43, %dma_wait3A_44] : memref<632x128xf32, #tpu.memory_space<hbm>> -> memref<520x128xf32, #tpu.memory_space<hbm>>
        tpu.wait_dma2 semaphore(%run_scoped3A : memref<!tpu.dma_semaphore, #tpu.memory_space<semaphore_mem>>) src(%dma_wait3A_45 : memref<520x128xf32, #tpu.memory_space<hbm>>) dst(%dma_wait3A_42 : memref<520x128xf32, #tpu.memory_space<vmem_shared>>)
        tpu.yield
      }) : () -> ()
    } else {
    }
    %barrier3A = arith.constant 0 : index
    tpu.barrier barrier_id(%barrier3A)
    %mul3A_7 = arith.constant 78 : i32
    %mul3A_8 = arith.muli %add3A, %mul3A_7 : i32
    %min3A = arith.constant 4 : i32
    %min3A_9 = arith.minsi %add3A, %min3A : i32
    %add3A_10 = arith.addi %mul3A_8, %min3A_9 : i32
    %lt3A_11 = arith.constant 4 : i32
    %lt3A_12 = arith.cmpi slt, %add3A, %lt3A_11 : i32
    %jit3A = arith.constant 1 : i32
    %jit3A_13 = arith.constant 0 : i32
    %select_n3A = arith.select %lt3A_12, %jit3A, %jit3A_13 : i32
    %add3A_14 = arith.constant 78 : i32
    %add3A_15 = arith.addi %add3A_14, %select_n3A : i32
    %while3A = arith.constant 0 : i32
    %while3A_16 = arith.constant 0 : i32
    %while3A_17 = arith.subi %add3A_15, %while3A_16 : i32
    %while3A_18 = arith.addi %while3A_16, %while3A_17 : i32
    %while3A_19 = arith.constant 1 : i32
    %while3A_20 = arith.divsi %while3A_17, %while3A_19 : i32
    %while3A_21 = arith.muli %while3A_20, %while3A_19 : i32
    %while3A_22 = arith.addi %while3A_16, %while3A_21 : i32
    %while3A_23 = arith.constant 1 : i32
    scf.for %while3A_36 = %while3A_16 to %while3A_22 step %while3A_23  : i32 {
      %add3A_37 = arith.addi %add3A_10, %while3A_36 : i32
      %mul3A_38 = arith.constant 128 : i32
      %mul3A_39 = arith.muli %add3A_37, %mul3A_38 : i32
      "tpu.region"() ({
        %run_scoped3A = tpu.sem_alloc : memref<!tpu.dma_semaphore, #tpu.memory_space<semaphore_mem>>
        %dma_start3A = tpu.memref_slice %arg2[%mul3A_39] : memref<320000xi32, #tpu.memory_space<hbm>> -> memref<128xi32, #tpu.memory_space<hbm>>
        %dma_start3A_40 = tpu.memref_slice %arg2[%mul3A_39] : memref<320000xi32, #tpu.memory_space<hbm>> -> memref<128xi32, #tpu.memory_space<hbm>>
        tpu.enqueue_dma source(%dma_start3A_40 : memref<128xi32, #tpu.memory_space<hbm>>) target(%arg7 : memref<128xi32, #tpu.memory_space<vmem>>) target_semaphore(%run_scoped3A : memref<!tpu.dma_semaphore, #tpu.memory_space<semaphore_mem>>)
        %dma_wait3A = tpu.memref_slice %arg2[%mul3A_39] : memref<320000xi32, #tpu.memory_space<hbm>> -> memref<128xi32, #tpu.memory_space<hbm>>
        %dma_wait3A_41 = tpu.memref_slice %arg2[%mul3A_39] : memref<320000xi32, #tpu.memory_space<hbm>> -> memref<128xi32, #tpu.memory_space<hbm>>
        tpu.wait_dma2 semaphore(%run_scoped3A : memref<!tpu.dma_semaphore, #tpu.memory_space<semaphore_mem>>) src(%dma_wait3A_41 : memref<128xi32, #tpu.memory_space<hbm>>) dst(%arg7 : memref<128xi32, #tpu.memory_space<vmem>>)
        tpu.yield
      }) : () -> ()
      "tpu.region"() ({
        %run_scoped3A = tpu.sem_alloc : memref<!tpu.dma_semaphore, #tpu.memory_space<semaphore_mem>>
        %dma_start3A = arith.constant 0 : i32
        %dma_start3A_40 = tpu.memref_slice %arg3[%mul3A_39, %dma_start3A] : memref<320000x128xf32, #tpu.memory_space<hbm>> -> memref<128x128xf32, #tpu.memory_space<hbm>>
        %dma_start3A_41 = arith.constant 0 : i32
        %dma_start3A_42 = tpu.memref_slice %arg3[%mul3A_39, %dma_start3A_41] : memref<320000x128xf32, #tpu.memory_space<hbm>> -> memref<128x128xf32, #tpu.memory_space<hbm>>
        tpu.enqueue_dma source(%dma_start3A_42 : memref<128x128xf32, #tpu.memory_space<hbm>>) target(%arg8 : memref<128x128xf32, #tpu.memory_space<vmem>>) target_semaphore(%run_scoped3A : memref<!tpu.dma_semaphore, #tpu.memory_space<semaphore_mem>>)
        %dma_wait3A = arith.constant 0 : i32
        %dma_wait3A_43 = tpu.memref_slice %arg3[%mul3A_39, %dma_wait3A] : memref<320000x128xf32, #tpu.memory_space<hbm>> -> memref<128x128xf32, #tpu.memory_space<hbm>>
        %dma_wait3A_44 = arith.constant 0 : i32
        %dma_wait3A_45 = tpu.memref_slice %arg3[%mul3A_39, %dma_wait3A_44] : memref<320000x128xf32, #tpu.memory_space<hbm>> -> memref<128x128xf32, #tpu.memory_space<hbm>>
        tpu.wait_dma2 semaphore(%run_scoped3A : memref<!tpu.dma_semaphore, #tpu.memory_space<semaphore_mem>>) src(%dma_wait3A_45 : memref<128x128xf32, #tpu.memory_space<hbm>>) dst(%arg8 : memref<128x128xf32, #tpu.memory_space<vmem>>)
        tpu.yield
      }) : () -> ()
      "tpu.region"() ({
        %run_scoped3A = tpu.sem_alloc : memref<!tpu.dma_semaphore, #tpu.memory_space<semaphore_mem>>
        %dma_start3A = arith.constant 0 : i32
        %dma_start3A_40 = arith.constant 0 : i32
        %dma_start3A_41 = tpu.memref_slice %arg6[%dma_start3A, %dma_start3A_40] : memref<10000x128xf32, #tpu.memory_space<vmem_shared>> -> memref<10000x128xf32, #tpu.memory_space<vmem_shared>>
        tpu.enqueue_indirect_dma source(%arg8 : memref<128x128xf32, #tpu.memory_space<vmem>>) target(%dma_start3A_41 : memref<10000x128xf32, #tpu.memory_space<vmem_shared>>) offsets(%arg7 : memref<128xi32, #tpu.memory_space<vmem>>) semaphore(%run_scoped3A : memref<!tpu.dma_semaphore, #tpu.memory_space<semaphore_mem>>) {add = true}
        %dma_wait3A = arith.constant 0 : i32
        %dma_wait3A_42 = arith.constant 0 : i32
        %dma_wait3A_43 = tpu.memref_slice %arg6[%dma_wait3A, %dma_wait3A_42] : memref<10000x128xf32, #tpu.memory_space<vmem_shared>> -> memref<10000x128xf32, #tpu.memory_space<vmem_shared>>
        tpu.wait_indirect_dma semaphore(%run_scoped3A : memref<!tpu.dma_semaphore, #tpu.memory_space<semaphore_mem>>) src(%arg8 : memref<128x128xf32, #tpu.memory_space<vmem>>) dst(%dma_wait3A_43 : memref<10000x128xf32, #tpu.memory_space<vmem_shared>>)
        tpu.yield
      }) : () -> ()
    }
    %while3A_24 = arith.constant 1 : i32
    scf.for %while3A_36 = %while3A_22 to %while3A_18 step %while3A_24  : i32 {
      %add3A_37 = arith.addi %add3A_10, %while3A_36 : i32
      %mul3A_38 = arith.constant 128 : i32
      %mul3A_39 = arith.muli %add3A_37, %mul3A_38 : i32
      "tpu.region"() ({
        %run_scoped3A = tpu.sem_alloc : memref<!tpu.dma_semaphore, #tpu.memory_space<semaphore_mem>>
        %dma_start3A = tpu.memref_slice %arg2[%mul3A_39] : memref<320000xi32, #tpu.memory_space<hbm>> -> memref<128xi32, #tpu.memory_space<hbm>>
        %dma_start3A_40 = tpu.memref_slice %arg2[%mul3A_39] : memref<320000xi32, #tpu.memory_space<hbm>> -> memref<128xi32, #tpu.memory_space<hbm>>
        tpu.enqueue_dma source(%dma_start3A_40 : memref<128xi32, #tpu.memory_space<hbm>>) target(%arg7 : memref<128xi32, #tpu.memory_space<vmem>>) target_semaphore(%run_scoped3A : memref<!tpu.dma_semaphore, #tpu.memory_space<semaphore_mem>>)
        %dma_wait3A = tpu.memref_slice %arg2[%mul3A_39] : memref<320000xi32, #tpu.memory_space<hbm>> -> memref<128xi32, #tpu.memory_space<hbm>>
        %dma_wait3A_41 = tpu.memref_slice %arg2[%mul3A_39] : memref<320000xi32, #tpu.memory_space<hbm>> -> memref<128xi32, #tpu.memory_space<hbm>>
        tpu.wait_dma2 semaphore(%run_scoped3A : memref<!tpu.dma_semaphore, #tpu.memory_space<semaphore_mem>>) src(%dma_wait3A_41 : memref<128xi32, #tpu.memory_space<hbm>>) dst(%arg7 : memref<128xi32, #tpu.memory_space<vmem>>)
        tpu.yield
      }) : () -> ()
      "tpu.region"() ({
        %run_scoped3A = tpu.sem_alloc : memref<!tpu.dma_semaphore, #tpu.memory_space<semaphore_mem>>
        %dma_start3A = arith.constant 0 : i32
        %dma_start3A_40 = tpu.memref_slice %arg3[%mul3A_39, %dma_start3A] : memref<320000x128xf32, #tpu.memory_space<hbm>> -> memref<128x128xf32, #tpu.memory_space<hbm>>
        %dma_start3A_41 = arith.constant 0 : i32
        %dma_start3A_42 = tpu.memref_slice %arg3[%mul3A_39, %dma_start3A_41] : memref<320000x128xf32, #tpu.memory_space<hbm>> -> memref<128x128xf32, #tpu.memory_space<hbm>>
        tpu.enqueue_dma source(%dma_start3A_42 : memref<128x128xf32, #tpu.memory_space<hbm>>) target(%arg8 : memref<128x128xf32, #tpu.memory_space<vmem>>) target_semaphore(%run_scoped3A : memref<!tpu.dma_semaphore, #tpu.memory_space<semaphore_mem>>)
        %dma_wait3A = arith.constant 0 : i32
        %dma_wait3A_43 = tpu.memref_slice %arg3[%mul3A_39, %dma_wait3A] : memref<320000x128xf32, #tpu.memory_space<hbm>> -> memref<128x128xf32, #tpu.memory_space<hbm>>
        %dma_wait3A_44 = arith.constant 0 : i32
        %dma_wait3A_45 = tpu.memref_slice %arg3[%mul3A_39, %dma_wait3A_44] : memref<320000x128xf32, #tpu.memory_space<hbm>> -> memref<128x128xf32, #tpu.memory_space<hbm>>
        tpu.wait_dma2 semaphore(%run_scoped3A : memref<!tpu.dma_semaphore, #tpu.memory_space<semaphore_mem>>) src(%dma_wait3A_45 : memref<128x128xf32, #tpu.memory_space<hbm>>) dst(%arg8 : memref<128x128xf32, #tpu.memory_space<vmem>>)
        tpu.yield
      }) : () -> ()
      "tpu.region"() ({
        %run_scoped3A = tpu.sem_alloc : memref<!tpu.dma_semaphore, #tpu.memory_space<semaphore_mem>>
        %dma_start3A = arith.constant 0 : i32
        %dma_start3A_40 = arith.constant 0 : i32
        %dma_start3A_41 = tpu.memref_slice %arg6[%dma_start3A, %dma_start3A_40] : memref<10000x128xf32, #tpu.memory_space<vmem_shared>> -> memref<10000x128xf32, #tpu.memory_space<vmem_shared>>
        tpu.enqueue_indirect_dma source(%arg8 : memref<128x128xf32, #tpu.memory_space<vmem>>) target(%dma_start3A_41 : memref<10000x128xf32, #tpu.memory_space<vmem_shared>>) offsets(%arg7 : memref<128xi32, #tpu.memory_space<vmem>>) semaphore(%run_scoped3A : memref<!tpu.dma_semaphore, #tpu.memory_space<semaphore_mem>>) {add = true}
        %dma_wait3A = arith.constant 0 : i32
        %dma_wait3A_42 = arith.constant 0 : i32
        %dma_wait3A_43 = tpu.memref_slice %arg6[%dma_wait3A, %dma_wait3A_42] : memref<10000x128xf32, #tpu.memory_space<vmem_shared>> -> memref<10000x128xf32, #tpu.memory_space<vmem_shared>>
        tpu.wait_indirect_dma semaphore(%run_scoped3A : memref<!tpu.dma_semaphore, #tpu.memory_space<semaphore_mem>>) src(%arg8 : memref<128x128xf32, #tpu.memory_space<vmem>>) dst(%dma_wait3A_43 : memref<10000x128xf32, #tpu.memory_space<vmem_shared>>)
        tpu.yield
      }) : () -> ()
    }
    %barrier3A_25 = arith.constant 0 : index
    tpu.barrier barrier_id(%barrier3A_25)
    %lt3A_26 = arith.constant 15 : i32
    %lt3A_27 = arith.cmpi slt, %arg1, %lt3A_26 : i32
    %convert_element_type3A_28 = arith.extui %lt3A_27 : i1 to i32
    %cond3A_29 = arith.constant 0 : i32
    %cond3A_30 = arith.cmpi ne, %convert_element_type3A_28, %cond3A_29 : i32
    scf.if %cond3A_30 {
      %mul3A_36 = arith.constant 632 : i32
      %mul3A_37 = arith.muli %arg1, %mul3A_36 : i32
      %mul3A_38 = arith.constant 632 : i32
      %mul3A_39 = arith.muli %arg1, %mul3A_38 : i32
      "tpu.region"() ({
        %run_scoped3A = tpu.sem_alloc : memref<!tpu.dma_semaphore, #tpu.memory_space<semaphore_mem>>
        %dma_start3A = arith.constant 0 : i32
        %dma_start3A_40 = tpu.memref_slice %arg5[%arg0, %mul3A_39, %dma_start3A] : memref<2x10000x128xf32, #tpu.memory_space<hbm>> -> memref<1x632x128xf32, #tpu.memory_space<hbm>>
        %dma_start3A_41 = tpu.memref_squeeze %dma_start3A_40 : memref<1x632x128xf32, #tpu.memory_space<hbm>> -> memref<632x128xf32, #tpu.memory_space<hbm>>
        %dma_start3A_42 = arith.constant 0 : i32
        %dma_start3A_43 = tpu.memref_slice %arg6[%mul3A_37, %dma_start3A_42] : memref<10000x128xf32, #tpu.memory_space<vmem_shared>> -> memref<632x128xf32, #tpu.memory_space<vmem_shared>>
        tpu.enqueue_dma source(%dma_start3A_43 : memref<632x128xf32, #tpu.memory_space<vmem_shared>>) target(%dma_start3A_41 : memref<632x128xf32, #tpu.memory_space<hbm>>) target_semaphore(%run_scoped3A : memref<!tpu.dma_semaphore, #tpu.memory_space<semaphore_mem>>)
        %dma_wait3A = arith.constant 0 : i32
        %dma_wait3A_44 = tpu.memref_slice %arg5[%arg0, %mul3A_39, %dma_wait3A] : memref<2x10000x128xf32, #tpu.memory_space<hbm>> -> memref<1x632x128xf32, #tpu.memory_space<hbm>>
        %dma_wait3A_45 = tpu.memref_squeeze %dma_wait3A_44 : memref<1x632x128xf32, #tpu.memory_space<hbm>> -> memref<632x128xf32, #tpu.memory_space<hbm>>
        %dma_wait3A_46 = arith.constant 0 : i32
        %dma_wait3A_47 = tpu.memref_slice %arg6[%mul3A_37, %dma_wait3A_46] : memref<10000x128xf32, #tpu.memory_space<vmem_shared>> -> memref<632x128xf32, #tpu.memory_space<vmem_shared>>
        tpu.wait_dma2 semaphore(%run_scoped3A : memref<!tpu.dma_semaphore, #tpu.memory_space<semaphore_mem>>) src(%dma_wait3A_47 : memref<632x128xf32, #tpu.memory_space<vmem_shared>>) dst(%dma_wait3A_45 : memref<632x128xf32, #tpu.memory_space<hbm>>)
        tpu.yield
      }) : () -> ()
    } else {
    }
    %eq3A_31 = arith.constant 15 : i32
    %eq3A_32 = arith.cmpi eq, %arg1, %eq3A_31 : i32
    %convert_element_type3A_33 = arith.extui %eq3A_32 : i1 to i32
    %cond3A_34 = arith.constant 0 : i32
    %cond3A_35 = arith.cmpi ne, %convert_element_type3A_33, %cond3A_34 : i32
    scf.if %cond3A_35 {
      "tpu.region"() ({
        %run_scoped3A = tpu.sem_alloc : memref<!tpu.dma_semaphore, #tpu.memory_space<semaphore_mem>>
        %dma_start3A = arith.constant 9480 : i32
        %dma_start3A_36 = arith.constant 0 : i32
        %dma_start3A_37 = tpu.memref_slice %arg5[%arg0, %dma_start3A, %dma_start3A_36] : memref<2x10000x128xf32, #tpu.memory_space<hbm>> -> memref<1x520x128xf32, #tpu.memory_space<hbm>>
        %dma_start3A_38 = tpu.memref_squeeze %dma_start3A_37 : memref<1x520x128xf32, #tpu.memory_space<hbm>> -> memref<520x128xf32, #tpu.memory_space<hbm>>
        %dma_start3A_39 = arith.constant 9480 : i32
        %dma_start3A_40 = arith.constant 0 : i32
        %dma_start3A_41 = tpu.memref_slice %arg6[%dma_start3A_39, %dma_start3A_40] : memref<10000x128xf32, #tpu.memory_space<vmem_shared>> -> memref<520x128xf32, #tpu.memory_space<vmem_shared>>
        tpu.enqueue_dma source(%dma_start3A_41 : memref<520x128xf32, #tpu.memory_space<vmem_shared>>) target(%dma_start3A_38 : memref<520x128xf32, #tpu.memory_space<hbm>>) target_semaphore(%run_scoped3A : memref<!tpu.dma_semaphore, #tpu.memory_space<semaphore_mem>>)
        %dma_wait3A = arith.constant 9480 : i32
        %dma_wait3A_42 = arith.constant 0 : i32
        %dma_wait3A_43 = tpu.memref_slice %arg5[%arg0, %dma_wait3A, %dma_wait3A_42] : memref<2x10000x128xf32, #tpu.memory_space<hbm>> -> memref<1x520x128xf32, #tpu.memory_space<hbm>>
        %dma_wait3A_44 = tpu.memref_squeeze %dma_wait3A_43 : memref<1x520x128xf32, #tpu.memory_space<hbm>> -> memref<520x128xf32, #tpu.memory_space<hbm>>
        %dma_wait3A_45 = arith.constant 9480 : i32
        %dma_wait3A_46 = arith.constant 0 : i32
        %dma_wait3A_47 = tpu.memref_slice %arg6[%dma_wait3A_45, %dma_wait3A_46] : memref<10000x128xf32, #tpu.memory_space<vmem_shared>> -> memref<520x128xf32, #tpu.memory_space<vmem_shared>>
        tpu.wait_dma2 semaphore(%run_scoped3A : memref<!tpu.dma_semaphore, #tpu.memory_space<semaphore_mem>>) src(%dma_wait3A_47 : memref<520x128xf32, #tpu.memory_space<vmem_shared>>) dst(%dma_wait3A_44 : memref<520x128xf32, #tpu.memory_space<hbm>>)
        tpu.yield
      }) : () -> ()
    } else {
    }
    return
  }
}

#map = affine_map<(d0, d1) -> (0)>
#map1 = affine_map<(d0, d1) -> (0, 0)>
module attributes {stable_mosaic.version = 14 : i64} {
  func.func @_sc_gather_body(%arg0: i32, %arg1: i32, %arg2: memref<320000xi32, #tpu.memory_space<hbm>>, %arg3: memref<320000xi32, #tpu.memory_space<hbm>>, %arg4: memref<10000x256xf32, #tpu.memory_space<hbm>>, %arg5: memref<10000x256xf32, #tpu.memory_space<hbm>>, %arg6: memref<320000x256xf32, #tpu.memory_space<hbm>>, %arg7: memref<320000x256xf32, #tpu.memory_space<hbm>>, %arg8: memref<128xi32, #tpu.memory_space<vmem>>, %arg9: memref<128xi32, #tpu.memory_space<vmem>>, %arg10: memref<128x256xf32, #tpu.memory_space<vmem>>, %arg11: memref<128x256xf32, #tpu.memory_space<vmem>>, %arg12: memref<!tpu.dma_semaphore, #tpu.memory_space<semaphore_mem>>) attributes {dimension_semantics = [#tpu.dimension_semantics<core_parallel>, #tpu.dimension_semantics<subcore_parallel>], iteration_bounds = array<i64: 2, 16>, scalar_prefetch = 0 : i64, scratch_operands = 5 : i64, tpu.core_type = #tpu.core_type<sc_vector_subcore>, window_params = [{transform_indices = #map}, {transform_indices = #map}, {transform_indices = #map1}, {transform_indices = #map1}, {transform_indices = #map1}, {transform_indices = #map1}]} {
    %mul3A = arith.constant 2 : i32
    %mul3A_0 = arith.muli %arg1, %mul3A : i32
    %add3A = arith.addi %mul3A_0, %arg0 : i32
    %mul3A_1 = arith.constant 78 : i32
    %mul3A_2 = arith.muli %add3A, %mul3A_1 : i32
    %min3A = arith.constant 4 : i32
    %min3A_3 = arith.minsi %add3A, %min3A : i32
    %add3A_4 = arith.addi %mul3A_2, %min3A_3 : i32
    %lt3A = arith.constant 4 : i32
    %lt3A_5 = arith.cmpi slt, %add3A, %lt3A : i32
    %jit3A = arith.constant 1 : i32
    %jit3A_6 = arith.constant 0 : i32
    %select_n3A = arith.select %lt3A_5, %jit3A, %jit3A_6 : i32
    %add3A_7 = arith.constant 78 : i32
    %add3A_8 = arith.addi %add3A_7, %select_n3A : i32
    %while3A = arith.constant 0 : i32
    %while3A_9 = arith.constant 0 : i32
    %while3A_10 = arith.subi %add3A_8, %while3A_9 : i32
    %while3A_11 = arith.addi %while3A_9, %while3A_10 : i32
    %while3A_12 = arith.constant 1 : i32
    %while3A_13 = arith.divsi %while3A_10, %while3A_12 : i32
    %while3A_14 = arith.muli %while3A_13, %while3A_12 : i32
    %while3A_15 = arith.addi %while3A_9, %while3A_14 : i32
    %while3A_16 = arith.constant 1 : i32
    scf.for %while3A_18 = %while3A_9 to %while3A_15 step %while3A_16  : i32 {
      %add3A_19 = arith.addi %add3A_4, %while3A_18 : i32
      %mul3A_20 = arith.constant 128 : i32
      %mul3A_21 = arith.muli %add3A_19, %mul3A_20 : i32
      "tpu.region"() ({
        %run_scoped3A = tpu.sem_alloc : memref<!tpu.dma_semaphore, #tpu.memory_space<semaphore_mem>>
        %dma_start3A_32 = tpu.memref_slice %arg2[%mul3A_21] : memref<320000xi32, #tpu.memory_space<hbm>> -> memref<128xi32, #tpu.memory_space<hbm>>
        %dma_start3A_33 = tpu.memref_slice %arg2[%mul3A_21] : memref<320000xi32, #tpu.memory_space<hbm>> -> memref<128xi32, #tpu.memory_space<hbm>>
        tpu.enqueue_dma source(%dma_start3A_33 : memref<128xi32, #tpu.memory_space<hbm>>) target(%arg8 : memref<128xi32, #tpu.memory_space<vmem>>) target_semaphore(%run_scoped3A : memref<!tpu.dma_semaphore, #tpu.memory_space<semaphore_mem>>)
        %dma_wait3A_34 = tpu.memref_slice %arg2[%mul3A_21] : memref<320000xi32, #tpu.memory_space<hbm>> -> memref<128xi32, #tpu.memory_space<hbm>>
        %dma_wait3A_35 = tpu.memref_slice %arg2[%mul3A_21] : memref<320000xi32, #tpu.memory_space<hbm>> -> memref<128xi32, #tpu.memory_space<hbm>>
        tpu.wait_dma2 semaphore(%run_scoped3A : memref<!tpu.dma_semaphore, #tpu.memory_space<semaphore_mem>>) src(%dma_wait3A_35 : memref<128xi32, #tpu.memory_space<hbm>>) dst(%arg8 : memref<128xi32, #tpu.memory_space<vmem>>)
        tpu.yield
      }) : () -> ()
      "tpu.region"() ({
        %run_scoped3A = tpu.sem_alloc : memref<!tpu.dma_semaphore, #tpu.memory_space<semaphore_mem>>
        %dma_start3A_32 = tpu.memref_slice %arg3[%mul3A_21] : memref<320000xi32, #tpu.memory_space<hbm>> -> memref<128xi32, #tpu.memory_space<hbm>>
        %dma_start3A_33 = tpu.memref_slice %arg3[%mul3A_21] : memref<320000xi32, #tpu.memory_space<hbm>> -> memref<128xi32, #tpu.memory_space<hbm>>
        tpu.enqueue_dma source(%dma_start3A_33 : memref<128xi32, #tpu.memory_space<hbm>>) target(%arg9 : memref<128xi32, #tpu.memory_space<vmem>>) target_semaphore(%run_scoped3A : memref<!tpu.dma_semaphore, #tpu.memory_space<semaphore_mem>>)
        %dma_wait3A_34 = tpu.memref_slice %arg3[%mul3A_21] : memref<320000xi32, #tpu.memory_space<hbm>> -> memref<128xi32, #tpu.memory_space<hbm>>
        %dma_wait3A_35 = tpu.memref_slice %arg3[%mul3A_21] : memref<320000xi32, #tpu.memory_space<hbm>> -> memref<128xi32, #tpu.memory_space<hbm>>
        tpu.wait_dma2 semaphore(%run_scoped3A : memref<!tpu.dma_semaphore, #tpu.memory_space<semaphore_mem>>) src(%dma_wait3A_35 : memref<128xi32, #tpu.memory_space<hbm>>) dst(%arg9 : memref<128xi32, #tpu.memory_space<vmem>>)
        tpu.yield
      }) : () -> ()
      %dma_start3A = arith.constant 0 : i32
      %dma_start3A_22 = arith.constant 0 : i32
      %dma_start3A_23 = tpu.memref_slice %arg4[%dma_start3A, %dma_start3A_22] : memref<10000x256xf32, #tpu.memory_space<hbm>> -> memref<10000x256xf32, #tpu.memory_space<hbm>>
      tpu.enqueue_indirect_dma source(%dma_start3A_23 : memref<10000x256xf32, #tpu.memory_space<hbm>>) target(%arg10 : memref<128x256xf32, #tpu.memory_space<vmem>>) offsets(%arg8 : memref<128xi32, #tpu.memory_space<vmem>>) semaphore(%arg12 : memref<!tpu.dma_semaphore, #tpu.memory_space<semaphore_mem>>)
      %dma_start3A_24 = arith.constant 0 : i32
      %dma_start3A_25 = arith.constant 0 : i32
      %dma_start3A_26 = tpu.memref_slice %arg5[%dma_start3A_24, %dma_start3A_25] : memref<10000x256xf32, #tpu.memory_space<hbm>> -> memref<10000x256xf32, #tpu.memory_space<hbm>>
      tpu.enqueue_indirect_dma source(%dma_start3A_26 : memref<10000x256xf32, #tpu.memory_space<hbm>>) target(%arg11 : memref<128x256xf32, #tpu.memory_space<vmem>>) offsets(%arg9 : memref<128xi32, #tpu.memory_space<vmem>>) semaphore(%arg12 : memref<!tpu.dma_semaphore, #tpu.memory_space<semaphore_mem>>)
      %dma_wait3A = arith.constant 0 : i32
      %dma_wait3A_27 = arith.constant 0 : i32
      %dma_wait3A_28 = tpu.memref_slice %arg4[%dma_wait3A, %dma_wait3A_27] : memref<10000x256xf32, #tpu.memory_space<hbm>> -> memref<10000x256xf32, #tpu.memory_space<hbm>>
      tpu.wait_indirect_dma semaphore(%arg12 : memref<!tpu.dma_semaphore, #tpu.memory_space<semaphore_mem>>) src(%dma_wait3A_28 : memref<10000x256xf32, #tpu.memory_space<hbm>>) dst(%arg10 : memref<128x256xf32, #tpu.memory_space<vmem>>)
      %dma_wait3A_29 = arith.constant 0 : i32
      %dma_wait3A_30 = arith.constant 0 : i32
      %dma_wait3A_31 = tpu.memref_slice %arg5[%dma_wait3A_29, %dma_wait3A_30] : memref<10000x256xf32, #tpu.memory_space<hbm>> -> memref<10000x256xf32, #tpu.memory_space<hbm>>
      tpu.wait_indirect_dma semaphore(%arg12 : memref<!tpu.dma_semaphore, #tpu.memory_space<semaphore_mem>>) src(%dma_wait3A_31 : memref<10000x256xf32, #tpu.memory_space<hbm>>) dst(%arg11 : memref<128x256xf32, #tpu.memory_space<vmem>>)
      "tpu.region"() ({
        %run_scoped3A = tpu.sem_alloc : memref<!tpu.dma_semaphore, #tpu.memory_space<semaphore_mem>>
        %dma_start3A_32 = arith.constant 0 : i32
        %dma_start3A_33 = tpu.memref_slice %arg6[%mul3A_21, %dma_start3A_32] : memref<320000x256xf32, #tpu.memory_space<hbm>> -> memref<128x256xf32, #tpu.memory_space<hbm>>
        %dma_start3A_34 = arith.constant 0 : i32
        %dma_start3A_35 = tpu.memref_slice %arg6[%mul3A_21, %dma_start3A_34] : memref<320000x256xf32, #tpu.memory_space<hbm>> -> memref<128x256xf32, #tpu.memory_space<hbm>>
        tpu.enqueue_dma source(%arg10 : memref<128x256xf32, #tpu.memory_space<vmem>>) target(%dma_start3A_35 : memref<128x256xf32, #tpu.memory_space<hbm>>) target_semaphore(%run_scoped3A : memref<!tpu.dma_semaphore, #tpu.memory_space<semaphore_mem>>)
        %dma_wait3A_36 = arith.constant 0 : i32
        %dma_wait3A_37 = tpu.memref_slice %arg6[%mul3A_21, %dma_wait3A_36] : memref<320000x256xf32, #tpu.memory_space<hbm>> -> memref<128x256xf32, #tpu.memory_space<hbm>>
        %dma_wait3A_38 = arith.constant 0 : i32
        %dma_wait3A_39 = tpu.memref_slice %arg6[%mul3A_21, %dma_wait3A_38] : memref<320000x256xf32, #tpu.memory_space<hbm>> -> memref<128x256xf32, #tpu.memory_space<hbm>>
        tpu.wait_dma2 semaphore(%run_scoped3A : memref<!tpu.dma_semaphore, #tpu.memory_space<semaphore_mem>>) src(%arg10 : memref<128x256xf32, #tpu.memory_space<vmem>>) dst(%dma_wait3A_39 : memref<128x256xf32, #tpu.memory_space<hbm>>)
        tpu.yield
      }) : () -> ()
      "tpu.region"() ({
        %run_scoped3A = tpu.sem_alloc : memref<!tpu.dma_semaphore, #tpu.memory_space<semaphore_mem>>
        %dma_start3A_32 = arith.constant 0 : i32
        %dma_start3A_33 = tpu.memref_slice %arg7[%mul3A_21, %dma_start3A_32] : memref<320000x256xf32, #tpu.memory_space<hbm>> -> memref<128x256xf32, #tpu.memory_space<hbm>>
        %dma_start3A_34 = arith.constant 0 : i32
        %dma_start3A_35 = tpu.memref_slice %arg7[%mul3A_21, %dma_start3A_34] : memref<320000x256xf32, #tpu.memory_space<hbm>> -> memref<128x256xf32, #tpu.memory_space<hbm>>
        tpu.enqueue_dma source(%arg11 : memref<128x256xf32, #tpu.memory_space<vmem>>) target(%dma_start3A_35 : memref<128x256xf32, #tpu.memory_space<hbm>>) target_semaphore(%run_scoped3A : memref<!tpu.dma_semaphore, #tpu.memory_space<semaphore_mem>>)
        %dma_wait3A_36 = arith.constant 0 : i32
        %dma_wait3A_37 = tpu.memref_slice %arg7[%mul3A_21, %dma_wait3A_36] : memref<320000x256xf32, #tpu.memory_space<hbm>> -> memref<128x256xf32, #tpu.memory_space<hbm>>
        %dma_wait3A_38 = arith.constant 0 : i32
        %dma_wait3A_39 = tpu.memref_slice %arg7[%mul3A_21, %dma_wait3A_38] : memref<320000x256xf32, #tpu.memory_space<hbm>> -> memref<128x256xf32, #tpu.memory_space<hbm>>
        tpu.wait_dma2 semaphore(%run_scoped3A : memref<!tpu.dma_semaphore, #tpu.memory_space<semaphore_mem>>) src(%arg11 : memref<128x256xf32, #tpu.memory_space<vmem>>) dst(%dma_wait3A_39 : memref<128x256xf32, #tpu.memory_space<hbm>>)
        tpu.yield
      }) : () -> ()
    }
    %while3A_17 = arith.constant 1 : i32
    scf.for %while3A_18 = %while3A_15 to %while3A_11 step %while3A_17  : i32 {
      %add3A_19 = arith.addi %add3A_4, %while3A_18 : i32
      %mul3A_20 = arith.constant 128 : i32
      %mul3A_21 = arith.muli %add3A_19, %mul3A_20 : i32
      "tpu.region"() ({
        %run_scoped3A = tpu.sem_alloc : memref<!tpu.dma_semaphore, #tpu.memory_space<semaphore_mem>>
        %dma_start3A_32 = tpu.memref_slice %arg2[%mul3A_21] : memref<320000xi32, #tpu.memory_space<hbm>> -> memref<128xi32, #tpu.memory_space<hbm>>
        %dma_start3A_33 = tpu.memref_slice %arg2[%mul3A_21] : memref<320000xi32, #tpu.memory_space<hbm>> -> memref<128xi32, #tpu.memory_space<hbm>>
        tpu.enqueue_dma source(%dma_start3A_33 : memref<128xi32, #tpu.memory_space<hbm>>) target(%arg8 : memref<128xi32, #tpu.memory_space<vmem>>) target_semaphore(%run_scoped3A : memref<!tpu.dma_semaphore, #tpu.memory_space<semaphore_mem>>)
        %dma_wait3A_34 = tpu.memref_slice %arg2[%mul3A_21] : memref<320000xi32, #tpu.memory_space<hbm>> -> memref<128xi32, #tpu.memory_space<hbm>>
        %dma_wait3A_35 = tpu.memref_slice %arg2[%mul3A_21] : memref<320000xi32, #tpu.memory_space<hbm>> -> memref<128xi32, #tpu.memory_space<hbm>>
        tpu.wait_dma2 semaphore(%run_scoped3A : memref<!tpu.dma_semaphore, #tpu.memory_space<semaphore_mem>>) src(%dma_wait3A_35 : memref<128xi32, #tpu.memory_space<hbm>>) dst(%arg8 : memref<128xi32, #tpu.memory_space<vmem>>)
        tpu.yield
      }) : () -> ()
      "tpu.region"() ({
        %run_scoped3A = tpu.sem_alloc : memref<!tpu.dma_semaphore, #tpu.memory_space<semaphore_mem>>
        %dma_start3A_32 = tpu.memref_slice %arg3[%mul3A_21] : memref<320000xi32, #tpu.memory_space<hbm>> -> memref<128xi32, #tpu.memory_space<hbm>>
        %dma_start3A_33 = tpu.memref_slice %arg3[%mul3A_21] : memref<320000xi32, #tpu.memory_space<hbm>> -> memref<128xi32, #tpu.memory_space<hbm>>
        tpu.enqueue_dma source(%dma_start3A_33 : memref<128xi32, #tpu.memory_space<hbm>>) target(%arg9 : memref<128xi32, #tpu.memory_space<vmem>>) target_semaphore(%run_scoped3A : memref<!tpu.dma_semaphore, #tpu.memory_space<semaphore_mem>>)
        %dma_wait3A_34 = tpu.memref_slice %arg3[%mul3A_21] : memref<320000xi32, #tpu.memory_space<hbm>> -> memref<128xi32, #tpu.memory_space<hbm>>
        %dma_wait3A_35 = tpu.memref_slice %arg3[%mul3A_21] : memref<320000xi32, #tpu.memory_space<hbm>> -> memref<128xi32, #tpu.memory_space<hbm>>
        tpu.wait_dma2 semaphore(%run_scoped3A : memref<!tpu.dma_semaphore, #tpu.memory_space<semaphore_mem>>) src(%dma_wait3A_35 : memref<128xi32, #tpu.memory_space<hbm>>) dst(%arg9 : memref<128xi32, #tpu.memory_space<vmem>>)
        tpu.yield
      }) : () -> ()
      %dma_start3A = arith.constant 0 : i32
      %dma_start3A_22 = arith.constant 0 : i32
      %dma_start3A_23 = tpu.memref_slice %arg4[%dma_start3A, %dma_start3A_22] : memref<10000x256xf32, #tpu.memory_space<hbm>> -> memref<10000x256xf32, #tpu.memory_space<hbm>>
      tpu.enqueue_indirect_dma source(%dma_start3A_23 : memref<10000x256xf32, #tpu.memory_space<hbm>>) target(%arg10 : memref<128x256xf32, #tpu.memory_space<vmem>>) offsets(%arg8 : memref<128xi32, #tpu.memory_space<vmem>>) semaphore(%arg12 : memref<!tpu.dma_semaphore, #tpu.memory_space<semaphore_mem>>)
      %dma_start3A_24 = arith.constant 0 : i32
      %dma_start3A_25 = arith.constant 0 : i32
      %dma_start3A_26 = tpu.memref_slice %arg5[%dma_start3A_24, %dma_start3A_25] : memref<10000x256xf32, #tpu.memory_space<hbm>> -> memref<10000x256xf32, #tpu.memory_space<hbm>>
      tpu.enqueue_indirect_dma source(%dma_start3A_26 : memref<10000x256xf32, #tpu.memory_space<hbm>>) target(%arg11 : memref<128x256xf32, #tpu.memory_space<vmem>>) offsets(%arg9 : memref<128xi32, #tpu.memory_space<vmem>>) semaphore(%arg12 : memref<!tpu.dma_semaphore, #tpu.memory_space<semaphore_mem>>)
      %dma_wait3A = arith.constant 0 : i32
      %dma_wait3A_27 = arith.constant 0 : i32
      %dma_wait3A_28 = tpu.memref_slice %arg4[%dma_wait3A, %dma_wait3A_27] : memref<10000x256xf32, #tpu.memory_space<hbm>> -> memref<10000x256xf32, #tpu.memory_space<hbm>>
      tpu.wait_indirect_dma semaphore(%arg12 : memref<!tpu.dma_semaphore, #tpu.memory_space<semaphore_mem>>) src(%dma_wait3A_28 : memref<10000x256xf32, #tpu.memory_space<hbm>>) dst(%arg10 : memref<128x256xf32, #tpu.memory_space<vmem>>)
      %dma_wait3A_29 = arith.constant 0 : i32
      %dma_wait3A_30 = arith.constant 0 : i32
      %dma_wait3A_31 = tpu.memref_slice %arg5[%dma_wait3A_29, %dma_wait3A_30] : memref<10000x256xf32, #tpu.memory_space<hbm>> -> memref<10000x256xf32, #tpu.memory_space<hbm>>
      tpu.wait_indirect_dma semaphore(%arg12 : memref<!tpu.dma_semaphore, #tpu.memory_space<semaphore_mem>>) src(%dma_wait3A_31 : memref<10000x256xf32, #tpu.memory_space<hbm>>) dst(%arg11 : memref<128x256xf32, #tpu.memory_space<vmem>>)
      "tpu.region"() ({
        %run_scoped3A = tpu.sem_alloc : memref<!tpu.dma_semaphore, #tpu.memory_space<semaphore_mem>>
        %dma_start3A_32 = arith.constant 0 : i32
        %dma_start3A_33 = tpu.memref_slice %arg6[%mul3A_21, %dma_start3A_32] : memref<320000x256xf32, #tpu.memory_space<hbm>> -> memref<128x256xf32, #tpu.memory_space<hbm>>
        %dma_start3A_34 = arith.constant 0 : i32
        %dma_start3A_35 = tpu.memref_slice %arg6[%mul3A_21, %dma_start3A_34] : memref<320000x256xf32, #tpu.memory_space<hbm>> -> memref<128x256xf32, #tpu.memory_space<hbm>>
        tpu.enqueue_dma source(%arg10 : memref<128x256xf32, #tpu.memory_space<vmem>>) target(%dma_start3A_35 : memref<128x256xf32, #tpu.memory_space<hbm>>) target_semaphore(%run_scoped3A : memref<!tpu.dma_semaphore, #tpu.memory_space<semaphore_mem>>)
        %dma_wait3A_36 = arith.constant 0 : i32
        %dma_wait3A_37 = tpu.memref_slice %arg6[%mul3A_21, %dma_wait3A_36] : memref<320000x256xf32, #tpu.memory_space<hbm>> -> memref<128x256xf32, #tpu.memory_space<hbm>>
        %dma_wait3A_38 = arith.constant 0 : i32
        %dma_wait3A_39 = tpu.memref_slice %arg6[%mul3A_21, %dma_wait3A_38] : memref<320000x256xf32, #tpu.memory_space<hbm>> -> memref<128x256xf32, #tpu.memory_space<hbm>>
        tpu.wait_dma2 semaphore(%run_scoped3A : memref<!tpu.dma_semaphore, #tpu.memory_space<semaphore_mem>>) src(%arg10 : memref<128x256xf32, #tpu.memory_space<vmem>>) dst(%dma_wait3A_39 : memref<128x256xf32, #tpu.memory_space<hbm>>)
        tpu.yield
      }) : () -> ()
      "tpu.region"() ({
        %run_scoped3A = tpu.sem_alloc : memref<!tpu.dma_semaphore, #tpu.memory_space<semaphore_mem>>
        %dma_start3A_32 = arith.constant 0 : i32
        %dma_start3A_33 = tpu.memref_slice %arg7[%mul3A_21, %dma_start3A_32] : memref<320000x256xf32, #tpu.memory_space<hbm>> -> memref<128x256xf32, #tpu.memory_space<hbm>>
        %dma_start3A_34 = arith.constant 0 : i32
        %dma_start3A_35 = tpu.memref_slice %arg7[%mul3A_21, %dma_start3A_34] : memref<320000x256xf32, #tpu.memory_space<hbm>> -> memref<128x256xf32, #tpu.memory_space<hbm>>
        tpu.enqueue_dma source(%arg11 : memref<128x256xf32, #tpu.memory_space<vmem>>) target(%dma_start3A_35 : memref<128x256xf32, #tpu.memory_space<hbm>>) target_semaphore(%run_scoped3A : memref<!tpu.dma_semaphore, #tpu.memory_space<semaphore_mem>>)
        %dma_wait3A_36 = arith.constant 0 : i32
        %dma_wait3A_37 = tpu.memref_slice %arg7[%mul3A_21, %dma_wait3A_36] : memref<320000x256xf32, #tpu.memory_space<hbm>> -> memref<128x256xf32, #tpu.memory_space<hbm>>
        %dma_wait3A_38 = arith.constant 0 : i32
        %dma_wait3A_39 = tpu.memref_slice %arg7[%mul3A_21, %dma_wait3A_38] : memref<320000x256xf32, #tpu.memory_space<hbm>> -> memref<128x256xf32, #tpu.memory_space<hbm>>
        tpu.wait_dma2 semaphore(%run_scoped3A : memref<!tpu.dma_semaphore, #tpu.memory_space<semaphore_mem>>) src(%arg11 : memref<128x256xf32, #tpu.memory_space<vmem>>) dst(%dma_wait3A_39 : memref<128x256xf32, #tpu.memory_space<hbm>>)
        tpu.yield
      }) : () -> ()
    }
    return
  }
}

module attributes {stable_mosaic.version = 14 : i64} {
  func.func @_node_tables_body(%arg0: i32, %arg1: memref<1000x128xf32, #tpu.memory_space<vmem>>, %arg2: memref<128x384xf32, #tpu.memory_space<vmem>>, %arg3: memref<128x16xf32, #tpu.memory_space<vmem>>, %arg4: memref<1x384xf32, #tpu.memory_space<vmem>>, %arg5: memref<1000x256xf32, #tpu.memory_space<vmem>>, %arg6: memref<1000x256xf32, #tpu.memory_space<vmem>>) attributes {dimension_semantics = [#tpu.dimension_semantics<arbitrary>], iteration_bounds = array<i64: 10>, scalar_prefetch = 0 : i64, scratch_operands = 0 : i64, tpu.core_type = #tpu.core_type<tc>, window_params = [{transform_indices = @transform_0, window_bounds = array<i64: 1000, 128>}, {pipeline_mode = #tpu.pipeline_mode<synchronous>, transform_indices = @transform_1, window_bounds = array<i64: 128, 384>}, {pipeline_mode = #tpu.pipeline_mode<synchronous>, transform_indices = @transform_2, window_bounds = array<i64: 128, 16>}, {pipeline_mode = #tpu.pipeline_mode<synchronous>, transform_indices = @transform_3, window_bounds = array<i64: 1, 384>}, {transform_indices = @transform_4, window_bounds = array<i64: 1000, 256>}, {transform_indices = @transform_5, window_bounds = array<i64: 1000, 256>}]} {
    %get3A = arith.constant 0 : index
    %get3A_0 = arith.constant 0 : index
    %get3A_1 = vector.load %arg1[%get3A, %get3A_0] : memref<1000x128xf32, #tpu.memory_space<vmem>>, vector<1000x128xf32>
    %get3A_2 = arith.constant 0 : index
    %get3A_3 = arith.constant 0 : index
    %get3A_4 = vector.load %arg2[%get3A_2, %get3A_3] : memref<128x384xf32, #tpu.memory_space<vmem>>, vector<128x384xf32>
    %dot_general3A = arith.constant dense<0.000000e+00> : vector<1000x384xf32>
    %dot_general3A_5 = tpu.matmul %get3A_1, %get3A_4, %dot_general3A {dimension_numbers = #tpu.dot_dimension_numbers<[1], [0], [0], [1], [0, 0, 1, 1], [], []>, transpose_lhs_hint = false} : vector<1000x128xf32>, vector<128x384xf32>, vector<1000x384xf32> -> vector<1000x384xf32>
    %slice3A = vector.extract_strided_slice %dot_general3A_5 {offsets = [0, 0], sizes = [1000, 128], strides = [1, 1]} : vector<1000x384xf32> to vector<1000x128xf32>
    %get3A_6 = arith.constant 0 : index
    %get3A_7 = arith.constant 0 : index
    %get3A_8 = vector.load %arg4[%get3A_6, %get3A_7] : memref<1x384xf32, #tpu.memory_space<vmem>>, vector<1x128xf32>
    %add3A = vector.broadcast %get3A_8 : vector<1x128xf32> to vector<1000x128xf32>
    %add3A_9 = arith.addf %slice3A, %add3A : vector<1000x128xf32>
    %slice3A_10 = vector.extract_strided_slice %dot_general3A_5 {offsets = [0, 128], sizes = [1000, 128], strides = [1, 1]} : vector<1000x384xf32> to vector<1000x128xf32>
    %get3A_11 = arith.constant 0 : index
    %get3A_12 = arith.constant 128 : index
    %get3A_13 = vector.load %arg4[%get3A_11, %get3A_12] : memref<1x384xf32, #tpu.memory_space<vmem>>, vector<1x128xf32>
    %add3A_14 = vector.broadcast %get3A_13 : vector<1x128xf32> to vector<1000x128xf32>
    %add3A_15 = arith.addf %slice3A_10, %add3A_14 : vector<1000x128xf32>
    %slice3A_16 = vector.extract_strided_slice %dot_general3A_5 {offsets = [0, 256], sizes = [1000, 128], strides = [1, 1]} : vector<1000x384xf32> to vector<1000x128xf32>
    %get3A_17 = arith.constant 0 : index
    %get3A_18 = arith.constant 256 : index
    %get3A_19 = vector.load %arg4[%get3A_17, %get3A_18] : memref<1x384xf32, #tpu.memory_space<vmem>>, vector<1x128xf32>
    %add3A_20 = vector.broadcast %get3A_19 : vector<1x128xf32> to vector<1000x128xf32>
    %add3A_21 = arith.addf %slice3A_16, %add3A_20 : vector<1000x128xf32>
    %get3A_22 = arith.constant 0 : index
    %get3A_23 = arith.constant 0 : index
    %get3A_24 = vector.load %arg3[%get3A_22, %get3A_23] : memref<128x16xf32, #tpu.memory_space<vmem>>, vector<128x16xf32>
    %dot_general3A_25 = arith.constant dense<0.000000e+00> : vector<1000x16xf32>
    %dot_general3A_26 = tpu.matmul %add3A_15, %get3A_24, %dot_general3A_25 {dimension_numbers = #tpu.dot_dimension_numbers<[1], [0], [0], [1], [0, 0, 1, 1], [], []>, transpose_lhs_hint = false} : vector<1000x128xf32>, vector<128x16xf32>, vector<1000x16xf32> -> vector<1000x16xf32>
    %concatenate3A = tpu.concatenate %add3A_9, %add3A_15 in 1 : vector<1000x128xf32>, vector<1000x128xf32> -> vector<1000x256xf32>
    %swap3A = arith.constant 0 : index
    %swap3A_27 = arith.constant 0 : index
    %swap3A_28 = vector.load %arg5[%swap3A, %swap3A_27] : memref<1000x256xf32, #tpu.memory_space<vmem>>, vector<1000x256xf32>
    tpu.vector_store %arg5[%swap3A, %swap3A_27], %concatenate3A {strides = array<i32>} : memref<1000x256xf32, #tpu.memory_space<vmem>>, vector<1000x256xf32>,
    %broadcast_in_dim3A = arith.constant 0.000000e+00 : f32
    %broadcast_in_dim3A_29 = vector.broadcast %broadcast_in_dim3A : f32 to vector<1000x112xf32>
    %concatenate3A_30 = tpu.concatenate %add3A_21, %dot_general3A_26, %broadcast_in_dim3A_29 in 1 : vector<1000x128xf32>, vector<1000x16xf32>, vector<1000x112xf32> -> vector<1000x256xf32>
    %swap3A_31 = arith.constant 0 : index
    %swap3A_32 = arith.constant 0 : index
    %swap3A_33 = vector.load %arg6[%swap3A_31, %swap3A_32] : memref<1000x256xf32, #tpu.memory_space<vmem>>, vector<1000x256xf32>
    tpu.vector_store %arg6[%swap3A_31, %swap3A_32], %concatenate3A_30 {strides = array<i32>} : memref<1000x256xf32, #tpu.memory_space<vmem>>, vector<1000x256xf32>,
    return
  }
  func.func @transform_0(%arg0: i32) -> (i32, i32) {
    %c0_i32 = arith.constant 0 : i32
    %c0_i32_0 = arith.constant 0 : i32
    return %arg0, %c0_i32 : i32, i32
  }
  func.func @transform_1(%arg0: i32) -> (i32, i32) {
    %c0_i32 = arith.constant 0 : i32
    %c0_i32_0 = arith.constant 0 : i32
    %c0_i32_1 = arith.constant 0 : i32
    return %c0_i32, %c0_i32_0 : i32, i32
  }
  func.func @transform_2(%arg0: i32) -> (i32, i32) {
    %c0_i32 = arith.constant 0 : i32
    %c0_i32_0 = arith.constant 0 : i32
    %c0_i32_1 = arith.constant 0 : i32
    return %c0_i32, %c0_i32_0 : i32, i32
  }
  func.func @transform_3(%arg0: i32) -> (i32, i32) {
    %c0_i32 = arith.constant 0 : i32
    %c0_i32_0 = arith.constant 0 : i32
    %c0_i32_1 = arith.constant 0 : i32
    return %c0_i32, %c0_i32_0 : i32, i32
  }
  func.func @transform_4(%arg0: i32) -> (i32, i32) {
    %c0_i32 = arith.constant 0 : i32
    %c0_i32_0 = arith.constant 0 : i32
    return %arg0, %c0_i32 : i32, i32
  }
  func.func @transform_5(%arg0: i32) -> (i32, i32) {
    %c0_i32 = arith.constant 0 : i32
    %c0_i32_0 = arith.constant 0 : i32
    return %arg0, %c0_i32 : i32, i32
  }
}

module attributes {stable_mosaic.version = 14 : i64} {
  func.func @_edge_body(%arg0: i32, %arg1: memref<1000x256xf32, #tpu.memory_space<vmem>>, %arg2: memref<1000x256xf32, #tpu.memory_space<vmem>>, %arg3: memref<1000x16xf32, #tpu.memory_space<vmem>>, %arg4: memref<16x128xf32, #tpu.memory_space<vmem>>, %arg5: memref<16x16xf32, #tpu.memory_space<vmem>>, %arg6: memref<128x16xf32, #tpu.memory_space<vmem>>, %arg7: memref<16x16xf32, #tpu.memory_space<vmem>>, %arg8: memref<1x192xf32, #tpu.memory_space<vmem>>, %arg9: memref<1000x128xf32, #tpu.memory_space<vmem>>, %arg10: memref<1000x16xf32, #tpu.memory_space<vmem>>) attributes {dimension_semantics = [#tpu.dimension_semantics<arbitrary>], iteration_bounds = array<i64: 320>, scalar_prefetch = 0 : i64, scratch_operands = 0 : i64, tpu.core_type = #tpu.core_type<tc>, window_params = [{transform_indices = @transform_0, window_bounds = array<i64: 1000, 256>}, {transform_indices = @transform_1, window_bounds = array<i64: 1000, 256>}, {transform_indices = @transform_2, window_bounds = array<i64: 1000, 16>}, {pipeline_mode = #tpu.pipeline_mode<synchronous>, transform_indices = @transform_3, window_bounds = array<i64: 16, 128>}, {pipeline_mode = #tpu.pipeline_mode<synchronous>, transform_indices = @transform_4, window_bounds = array<i64: 16, 16>}, {pipeline_mode = #tpu.pipeline_mode<synchronous>, transform_indices = @transform_5, window_bounds = array<i64: 128, 16>}, {pipeline_mode = #tpu.pipeline_mode<synchronous>, transform_indices = @transform_6, window_bounds = array<i64: 16, 16>}, {pipeline_mode = #tpu.pipeline_mode<synchronous>, transform_indices = @transform_7, window_bounds = array<i64: 1, 192>}, {transform_indices = @transform_8, window_bounds = array<i64: 1000, 128>}, {transform_indices = @transform_9, window_bounds = array<i64: 1000, 16>}]} {
    %get3A = arith.constant 0 : index
    %get3A_0 = arith.constant 0 : index
    %get3A_1 = vector.load %arg3[%get3A, %get3A_0] : memref<1000x16xf32, #tpu.memory_space<vmem>>, vector<1000x16xf32>
    %get3A_2 = arith.constant 0 : index
    %get3A_3 = arith.constant 0 : index
    %get3A_4 = vector.load %arg4[%get3A_2, %get3A_3] : memref<16x128xf32, #tpu.memory_space<vmem>>, vector<16x128xf32>
    %dot_general3A = arith.constant dense<0.000000e+00> : vector<1000x128xf32>
    %dot_general3A_5 = tpu.matmul %get3A_1, %get3A_4, %dot_general3A {dimension_numbers = #tpu.dot_dimension_numbers<[1], [0], [0], [1], [0, 0, 1, 1], [], []>, transpose_lhs_hint = false} : vector<1000x16xf32>, vector<16x128xf32>, vector<1000x128xf32> -> vector<1000x128xf32>
    %get3A_6 = arith.constant 0 : index
    %get3A_7 = arith.constant 0 : index
    %get3A_8 = vector.load %arg8[%get3A_6, %get3A_7] : memref<1x192xf32, #tpu.memory_space<vmem>>, vector<1x128xf32>
    %add3A = vector.broadcast %get3A_8 : vector<1x128xf32> to vector<1000x128xf32>
    %add3A_9 = arith.addf %dot_general3A_5, %add3A : vector<1000x128xf32>
    %get3A_10 = arith.constant 0 : index
    %get3A_11 = arith.constant 0 : index
    %get3A_12 = vector.load %arg1[%get3A_10, %get3A_11] : memref<1000x256xf32, #tpu.memory_space<vmem>>, vector<1000x128xf32>
    %get3A_13 = arith.constant 0 : index
    %get3A_14 = arith.constant 0 : index
    %get3A_15 = vector.load %arg2[%get3A_13, %get3A_14] : memref<1000x256xf32, #tpu.memory_space<vmem>>, vector<1000x128xf32>
    %add3A_16 = arith.addf %get3A_12, %get3A_15 : vector<1000x128xf32>
    %add3A_17 = arith.addf %add3A_16, %add3A_9 : vector<1000x128xf32>
    %logistic3A = arith.negf %add3A_17 : vector<1000x128xf32>
    %logistic3A_18 = math.exp %logistic3A : vector<1000x128xf32>
    %logistic3A_19 = arith.constant 1.000000e+00 : f32
    %logistic3A_20 = vector.broadcast %logistic3A_19 : f32 to vector<1000x128xf32>
    %logistic3A_21 = arith.addf %logistic3A_20, %logistic3A_18 : vector<1000x128xf32>
    %logistic3A_22 = arith.divf %logistic3A_20, %logistic3A_21 : vector<1000x128xf32>
    %get3A_23 = arith.constant 0 : index
    %get3A_24 = arith.constant 128 : index
    %get3A_25 = vector.load %arg1[%get3A_23, %get3A_24] : memref<1000x256xf32, #tpu.memory_space<vmem>>, vector<1000x128xf32>
    %mul3A = arith.mulf %logistic3A_22, %get3A_25 : vector<1000x128xf32>
    %swap3A = arith.constant 0 : index
    %swap3A_26 = arith.constant 0 : index
    %swap3A_27 = vector.load %arg9[%swap3A, %swap3A_26] : memref<1000x128xf32, #tpu.memory_space<vmem>>, vector<1000x128xf32>
    tpu.vector_store %arg9[%swap3A, %swap3A_26], %mul3A {strides = array<i32>} : memref<1000x128xf32, #tpu.memory_space<vmem>>, vector<1000x128xf32>,
    %get3A_28 = arith.constant 0 : index
    %get3A_29 = arith.constant 0 : index
    %get3A_30 = vector.load %arg5[%get3A_28, %get3A_29] : memref<16x16xf32, #tpu.memory_space<vmem>>, vector<16x16xf32>
    %dot_general3A_31 = arith.constant dense<0.000000e+00> : vector<1000x16xf32>
    %dot_general3A_32 = tpu.matmul %get3A_1, %get3A_30, %dot_general3A_31 {dimension_numbers = #tpu.dot_dimension_numbers<[1], [0], [0], [1], [0, 0, 1, 1], [], []>, transpose_lhs_hint = false} : vector<1000x16xf32>, vector<16x16xf32>, vector<1000x16xf32> -> vector<1000x16xf32>
    %get3A_33 = arith.constant 0 : index
    %get3A_34 = arith.constant 128 : index
    %get3A_35 = vector.load %arg1[%get3A_33, %get3A_34] : memref<1000x256xf32, #tpu.memory_space<vmem>>, vector<1000x128xf32>
    %get3A_36 = arith.constant 0 : index
    %get3A_37 = arith.constant 0 : index
    %get3A_38 = vector.load %arg6[%get3A_36, %get3A_37] : memref<128x16xf32, #tpu.memory_space<vmem>>, vector<128x16xf32>
    %dot_general3A_39 = arith.constant dense<0.000000e+00> : vector<1000x16xf32>
    %dot_general3A_40 = tpu.matmul %get3A_35, %get3A_38, %dot_general3A_39 {dimension_numbers = #tpu.dot_dimension_numbers<[1], [0], [0], [1], [0, 0, 1, 1], [], []>, transpose_lhs_hint = false} : vector<1000x128xf32>, vector<128x16xf32>, vector<1000x16xf32> -> vector<1000x16xf32>
    %add3A_41 = arith.addf %dot_general3A_32, %dot_general3A_40 : vector<1000x16xf32>
    %get3A_42 = arith.constant 0 : index
    %get3A_43 = arith.constant 128 : index
    %get3A_44 = vector.load %arg2[%get3A_42, %get3A_43] : memref<1000x256xf32, #tpu.memory_space<vmem>>, vector<1000x16xf32>
    %add3A_45 = arith.addf %add3A_41, %get3A_44 : vector<1000x16xf32>
    %get3A_46 = arith.constant 0 : index
    %get3A_47 = arith.constant 128 : index
    %get3A_48 = vector.load %arg8[%get3A_46, %get3A_47] : memref<1x192xf32, #tpu.memory_space<vmem>>, vector<1x16xf32>
    %add3A_49 = vector.broadcast %get3A_48 : vector<1x16xf32> to vector<1000x16xf32>
    %add3A_50 = arith.addf %add3A_45, %add3A_49 : vector<1000x16xf32>
    %logistic3A_51 = arith.negf %add3A_50 : vector<1000x16xf32>
    %logistic3A_52 = math.exp %logistic3A_51 : vector<1000x16xf32>
    %logistic3A_53 = arith.constant 1.000000e+00 : f32
    %logistic3A_54 = vector.broadcast %logistic3A_53 : f32 to vector<1000x16xf32>
    %logistic3A_55 = arith.addf %logistic3A_54, %logistic3A_52 : vector<1000x16xf32>
    %logistic3A_56 = arith.divf %logistic3A_54, %logistic3A_55 : vector<1000x16xf32>
    %mul3A_57 = arith.mulf %add3A_50, %logistic3A_56 : vector<1000x16xf32>
    %get3A_58 = arith.constant 0 : index
    %get3A_59 = arith.constant 0 : index
    %get3A_60 = vector.load %arg7[%get3A_58, %get3A_59] : memref<16x16xf32, #tpu.memory_space<vmem>>, vector<16x16xf32>
    %dot_general3A_61 = arith.constant dense<0.000000e+00> : vector<1000x16xf32>
    %dot_general3A_62 = tpu.matmul %mul3A_57, %get3A_60, %dot_general3A_61 {dimension_numbers = #tpu.dot_dimension_numbers<[1], [0], [0], [1], [0, 0, 1, 1], [], []>, transpose_lhs_hint = false} : vector<1000x16xf32>, vector<16x16xf32>, vector<1000x16xf32> -> vector<1000x16xf32>
    %get3A_63 = arith.constant 0 : index
    %get3A_64 = arith.constant 144 : index
    %get3A_65 = vector.load %arg8[%get3A_63, %get3A_64] : memref<1x192xf32, #tpu.memory_space<vmem>>, vector<1x16xf32>
    %add3A_66 = vector.broadcast %get3A_65 : vector<1x16xf32> to vector<1000x16xf32>
    %add3A_67 = arith.addf %dot_general3A_62, %add3A_66 : vector<1000x16xf32>
    %add3A_68 = arith.addf %get3A_1, %add3A_67 : vector<1000x16xf32>
    %reduce_sum3A = arith.constant dense<0.000000e+00> : vector<1000xf32>
    %reduce_sum3A_69 = vector.multi_reduction <add>, %add3A_68, %reduce_sum3A [1] : vector<1000x16xf32> to vector<1000xf32>
    %broadcast_in_dim3A = vector.shape_cast %reduce_sum3A_69 : vector<1000xf32> to vector<1000x1xf32>
    %div3A = arith.constant 1.600000e+01 : f32
    %div3A_70 = vector.broadcast %div3A : f32 to vector<1000x1xf32>
    %div3A_71 = arith.divf %broadcast_in_dim3A, %div3A_70 : vector<1000x1xf32>
    %sub3A = vector.broadcast %div3A_71 : vector<1000x1xf32> to vector<1000x16xf32>
    %sub3A_72 = arith.subf %add3A_68, %sub3A : vector<1000x16xf32>
    %integer_pow3A = arith.mulf %sub3A_72, %sub3A_72 : vector<1000x16xf32>
    %reduce_sum3A_73 = arith.constant dense<0.000000e+00> : vector<1000xf32>
    %reduce_sum3A_74 = vector.multi_reduction <add>, %integer_pow3A, %reduce_sum3A_73 [1] : vector<1000x16xf32> to vector<1000xf32>
    %broadcast_in_dim3A_75 = vector.shape_cast %reduce_sum3A_74 : vector<1000xf32> to vector<1000x1xf32>
    %div3A_76 = arith.constant 1.600000e+01 : f32
    %div3A_77 = vector.broadcast %div3A_76 : f32 to vector<1000x1xf32>
    %div3A_78 = arith.divf %broadcast_in_dim3A_75, %div3A_77 : vector<1000x1xf32>
    %get3A_79 = arith.constant 0 : index
    %get3A_80 = arith.constant 160 : index
    %get3A_81 = vector.load %arg8[%get3A_79, %get3A_80] : memref<1x192xf32, #tpu.memory_space<vmem>>, vector<1x16xf32>
    %get3A_82 = arith.constant 0 : index
    %get3A_83 = arith.constant 176 : index
    %get3A_84 = vector.load %arg8[%get3A_82, %get3A_83] : memref<1x192xf32, #tpu.memory_space<vmem>>, vector<1x16xf32>
    %sub3A_85 = vector.broadcast %div3A_71 : vector<1000x1xf32> to vector<1000x16xf32>
    %sub3A_86 = arith.subf %add3A_68, %sub3A_85 : vector<1000x16xf32>
    %add3A_87 = arith.constant 9.99999974E-6 : f32
    %add3A_88 = vector.broadcast %add3A_87 : f32 to vector<1000x1xf32>
    %add3A_89 = arith.addf %div3A_78, %add3A_88 : vector<1000x1xf32>
    %rsqrt3A = math.rsqrt %add3A_89 : vector<1000x1xf32>
    %mul3A_90 = vector.broadcast %rsqrt3A : vector<1000x1xf32> to vector<1000x16xf32>
    %mul3A_91 = arith.mulf %sub3A_86, %mul3A_90 : vector<1000x16xf32>
    %mul3A_92 = vector.broadcast %get3A_81 : vector<1x16xf32> to vector<1000x16xf32>
    %mul3A_93 = arith.mulf %mul3A_91, %mul3A_92 : vector<1000x16xf32>
    %add3A_94 = vector.broadcast %get3A_84 : vector<1x16xf32> to vector<1000x16xf32>
    %add3A_95 = arith.addf %mul3A_93, %add3A_94 : vector<1000x16xf32>
    %swap3A_96 = arith.constant 0 : index
    %swap3A_97 = arith.constant 0 : index
    %swap3A_98 = vector.load %arg10[%swap3A_96, %swap3A_97] : memref<1000x16xf32, #tpu.memory_space<vmem>>, vector<1000x16xf32>
    tpu.vector_store %arg10[%swap3A_96, %swap3A_97], %add3A_95 {strides = array<i32>} : memref<1000x16xf32, #tpu.memory_space<vmem>>, vector<1000x16xf32>,
    return
  }
  func.func @transform_0(%arg0: i32) -> (i32, i32) {
    %c0_i32 = arith.constant 0 : i32
    %c0_i32_0 = arith.constant 0 : i32
    return %arg0, %c0_i32 : i32, i32
  }
  func.func @transform_1(%arg0: i32) -> (i32, i32) {
    %c0_i32 = arith.constant 0 : i32
    %c0_i32_0 = arith.constant 0 : i32
    return %arg0, %c0_i32 : i32, i32
  }
  func.func @transform_2(%arg0: i32) -> (i32, i32) {
    %c0_i32 = arith.constant 0 : i32
    %c0_i32_0 = arith.constant 0 : i32
    return %arg0, %c0_i32 : i32, i32
  }
  func.func @transform_3(%arg0: i32) -> (i32, i32) {
    %c0_i32 = arith.constant 0 : i32
    %c0_i32_0 = arith.constant 0 : i32
    %c0_i32_1 = arith.constant 0 : i32
    return %c0_i32, %c0_i32_0 : i32, i32
  }
  func.func @transform_4(%arg0: i32) -> (i32, i32) {
    %c0_i32 = arith.constant 0 : i32
    %c0_i32_0 = arith.constant 0 : i32
    %c0_i32_1 = arith.constant 0 : i32
    return %c0_i32, %c0_i32_0 : i32, i32
  }
  func.func @transform_5(%arg0: i32) -> (i32, i32) {
    %c0_i32 = arith.constant 0 : i32
    %c0_i32_0 = arith.constant 0 : i32
    %c0_i32_1 = arith.constant 0 : i32
    return %c0_i32, %c0_i32_0 : i32, i32
  }
  func.func @transform_6(%arg0: i32) -> (i32, i32) {
    %c0_i32 = arith.constant 0 : i32
    %c0_i32_0 = arith.constant 0 : i32
    %c0_i32_1 = arith.constant 0 : i32
    return %c0_i32, %c0_i32_0 : i32, i32
  }
  func.func @transform_7(%arg0: i32) -> (i32, i32) {
    %c0_i32 = arith.constant 0 : i32
    %c0_i32_0 = arith.constant 0 : i32
    %c0_i32_1 = arith.constant 0 : i32
    return %c0_i32, %c0_i32_0 : i32, i32
  }
  func.func @transform_8(%arg0: i32) -> (i32, i32) {
    %c0_i32 = arith.constant 0 : i32
    %c0_i32_0 = arith.constant 0 : i32
    return %arg0, %c0_i32 : i32, i32
  }
  func.func @transform_9(%arg0: i32) -> (i32, i32) {
    %c0_i32 = arith.constant 0 : i32
    %c0_i32_0 = arith.constant 0 : i32
    return %arg0, %c0_i32 : i32, i32
  }
}

module attributes {stable_mosaic.version = 14 : i64} {
  func.func @_node_update_body(%arg0: i32, %arg1: memref<1000x128xf32, #tpu.memory_space<vmem>>, %arg2: memref<2x1000x128xf32, #tpu.memory_space<vmem>>, %arg3: memref<256x128xf32, #tpu.memory_space<vmem>>, %arg4: memref<128x128xf32, #tpu.memory_space<vmem>>, %arg5: memref<1x512xf32, #tpu.memory_space<vmem>>, %arg6: memref<1000x128xf32, #tpu.memory_space<vmem>>) attributes {dimension_semantics = [#tpu.dimension_semantics<arbitrary>], iteration_bounds = array<i64: 10>, scalar_prefetch = 0 : i64, scratch_operands = 0 : i64, tpu.core_type = #tpu.core_type<tc>, window_params = [{transform_indices = @transform_0, window_bounds = array<i64: 1000, 128>}, {transform_indices = @transform_1, window_bounds = array<i64: 2, 1000, 128>}, {pipeline_mode = #tpu.pipeline_mode<synchronous>, transform_indices = @transform_2, window_bounds = array<i64: 256, 128>}, {pipeline_mode = #tpu.pipeline_mode<synchronous>, transform_indices = @transform_3, window_bounds = array<i64: 128, 128>}, {pipeline_mode = #tpu.pipeline_mode<synchronous>, transform_indices = @transform_4, window_bounds = array<i64: 1, 512>}, {transform_indices = @transform_5, window_bounds = array<i64: 1000, 128>}]} {
    %get3A = arith.constant 0 : index
    %get3A_0 = arith.constant 0 : index
    %get3A_1 = vector.load %arg1[%get3A, %get3A_0] : memref<1000x128xf32, #tpu.memory_space<vmem>>, vector<1000x128xf32>
    %get3A_2 = arith.constant 0 : index
    %get3A_3 = arith.constant 0 : index
    %get3A_4 = arith.constant 0 : index
    %get3A_5 = vector.load %arg2[%get3A_2, %get3A_3, %get3A_4] : memref<2x1000x128xf32, #tpu.memory_space<vmem>>, vector<1x1000x128xf32>
    %get3A_6 = vector.shape_cast %get3A_5 : vector<1x1000x128xf32> to vector<1000x128xf32>
    %get3A_7 = arith.constant 1 : index
    %get3A_8 = arith.constant 0 : index
    %get3A_9 = arith.constant 0 : index
    %get3A_10 = vector.load %arg2[%get3A_7, %get3A_8, %get3A_9] : memref<2x1000x128xf32, #tpu.memory_space<vmem>>, vector<1x1000x128xf32>
    %get3A_11 = vector.shape_cast %get3A_10 : vector<1x1000x128xf32> to vector<1000x128xf32>
    %add3A = arith.addf %get3A_6, %get3A_11 : vector<1000x128xf32>
    %concatenate3A = tpu.concatenate %get3A_1, %add3A in 1 : vector<1000x128xf32>, vector<1000x128xf32> -> vector<1000x256xf32>
    %get3A_12 = arith.constant 0 : index
    %get3A_13 = arith.constant 0 : index
    %get3A_14 = vector.load %arg3[%get3A_12, %get3A_13] : memref<256x128xf32, #tpu.memory_space<vmem>>, vector<256x128xf32>
    %dot_general3A = arith.constant dense<0.000000e+00> : vector<1000x128xf32>
    %dot_general3A_15 = tpu.matmul %concatenate3A, %get3A_14, %dot_general3A {dimension_numbers = #tpu.dot_dimension_numbers<[1], [0], [0], [1], [0, 0, 1, 1], [], []>, transpose_lhs_hint = false} : vector<1000x256xf32>, vector<256x128xf32>, vector<1000x128xf32> -> vector<1000x128xf32>
    %get3A_16 = arith.constant 0 : index
    %get3A_17 = arith.constant 0 : index
    %get3A_18 = vector.load %arg5[%get3A_16, %get3A_17] : memref<1x512xf32, #tpu.memory_space<vmem>>, vector<1x128xf32>
    %add3A_19 = vector.broadcast %get3A_18 : vector<1x128xf32> to vector<1000x128xf32>
    %add3A_20 = arith.addf %dot_general3A_15, %add3A_19 : vector<1000x128xf32>
    %logistic3A = arith.negf %add3A_20 : vector<1000x128xf32>
    %logistic3A_21 = math.exp %logistic3A : vector<1000x128xf32>
    %logistic3A_22 = arith.constant 1.000000e+00 : f32
    %logistic3A_23 = vector.broadcast %logistic3A_22 : f32 to vector<1000x128xf32>
    %logistic3A_24 = arith.addf %logistic3A_23, %logistic3A_21 : vector<1000x128xf32>
    %logistic3A_25 = arith.divf %logistic3A_23, %logistic3A_24 : vector<1000x128xf32>
    %mul3A = arith.mulf %add3A_20, %logistic3A_25 : vector<1000x128xf32>
    %get3A_26 = arith.constant 0 : index
    %get3A_27 = arith.constant 0 : index
    %get3A_28 = vector.load %arg4[%get3A_26, %get3A_27] : memref<128x128xf32, #tpu.memory_space<vmem>>, vector<128x128xf32>
    %dot_general3A_29 = arith.constant dense<0.000000e+00> : vector<1000x128xf32>
    %dot_general3A_30 = tpu.matmul %mul3A, %get3A_28, %dot_general3A_29 {dimension_numbers = #tpu.dot_dimension_numbers<[1], [0], [0], [1], [0, 0, 1, 1], [], []>, transpose_lhs_hint = false} : vector<1000x128xf32>, vector<128x128xf32>, vector<1000x128xf32> -> vector<1000x128xf32>
    %get3A_31 = arith.constant 0 : index
    %get3A_32 = arith.constant 128 : index
    %get3A_33 = vector.load %arg5[%get3A_31, %get3A_32] : memref<1x512xf32, #tpu.memory_space<vmem>>, vector<1x128xf32>
    %add3A_34 = vector.broadcast %get3A_33 : vector<1x128xf32> to vector<1000x128xf32>
    %add3A_35 = arith.addf %dot_general3A_30, %add3A_34 : vector<1000x128xf32>
    %add3A_36 = arith.addf %get3A_1, %add3A_35 : vector<1000x128xf32>
    %reduce_sum3A = arith.constant dense<0.000000e+00> : vector<1000xf32>
    %reduce_sum3A_37 = vector.multi_reduction <add>, %add3A_36, %reduce_sum3A [1] : vector<1000x128xf32> to vector<1000xf32>
    %broadcast_in_dim3A = vector.shape_cast %reduce_sum3A_37 : vector<1000xf32> to vector<1000x1xf32>
    %div3A = arith.constant 1.280000e+02 : f32
    %div3A_38 = vector.broadcast %div3A : f32 to vector<1000x1xf32>
    %div3A_39 = arith.divf %broadcast_in_dim3A, %div3A_38 : vector<1000x1xf32>
    %sub3A = vector.broadcast %div3A_39 : vector<1000x1xf32> to vector<1000x128xf32>
    %sub3A_40 = arith.subf %add3A_36, %sub3A : vector<1000x128xf32>
    %integer_pow3A = arith.mulf %sub3A_40, %sub3A_40 : vector<1000x128xf32>
    %reduce_sum3A_41 = arith.constant dense<0.000000e+00> : vector<1000xf32>
    %reduce_sum3A_42 = vector.multi_reduction <add>, %integer_pow3A, %reduce_sum3A_41 [1] : vector<1000x128xf32> to vector<1000xf32>
    %broadcast_in_dim3A_43 = vector.shape_cast %reduce_sum3A_42 : vector<1000xf32> to vector<1000x1xf32>
    %div3A_44 = arith.constant 1.280000e+02 : f32
    %div3A_45 = vector.broadcast %div3A_44 : f32 to vector<1000x1xf32>
    %div3A_46 = arith.divf %broadcast_in_dim3A_43, %div3A_45 : vector<1000x1xf32>
    %get3A_47 = arith.constant 0 : index
    %get3A_48 = arith.constant 256 : index
    %get3A_49 = vector.load %arg5[%get3A_47, %get3A_48] : memref<1x512xf32, #tpu.memory_space<vmem>>, vector<1x128xf32>
    %get3A_50 = arith.constant 0 : index
    %get3A_51 = arith.constant 384 : index
    %get3A_52 = vector.load %arg5[%get3A_50, %get3A_51] : memref<1x512xf32, #tpu.memory_space<vmem>>, vector<1x128xf32>
    %sub3A_53 = vector.broadcast %div3A_39 : vector<1000x1xf32> to vector<1000x128xf32>
    %sub3A_54 = arith.subf %add3A_36, %sub3A_53 : vector<1000x128xf32>
    %add3A_55 = arith.constant 9.99999974E-6 : f32
    %add3A_56 = vector.broadcast %add3A_55 : f32 to vector<1000x1xf32>
    %add3A_57 = arith.addf %div3A_46, %add3A_56 : vector<1000x1xf32>
    %rsqrt3A = math.rsqrt %add3A_57 : vector<1000x1xf32>
    %mul3A_58 = vector.broadcast %rsqrt3A : vector<1000x1xf32> to vector<1000x128xf32>
    %mul3A_59 = arith.mulf %sub3A_54, %mul3A_58 : vector<1000x128xf32>
    %mul3A_60 = vector.broadcast %get3A_49 : vector<1x128xf32> to vector<1000x128xf32>
    %mul3A_61 = arith.mulf %mul3A_59, %mul3A_60 : vector<1000x128xf32>
    %add3A_62 = vector.broadcast %get3A_52 : vector<1x128xf32> to vector<1000x128xf32>
    %add3A_63 = arith.addf %mul3A_61, %add3A_62 : vector<1000x128xf32>
    %swap3A = arith.constant 0 : index
    %swap3A_64 = arith.constant 0 : index
    %swap3A_65 = vector.load %arg6[%swap3A, %swap3A_64] : memref<1000x128xf32, #tpu.memory_space<vmem>>, vector<1000x128xf32>
    tpu.vector_store %arg6[%swap3A, %swap3A_64], %add3A_63 {strides = array<i32>} : memref<1000x128xf32, #tpu.memory_space<vmem>>, vector<1000x128xf32>,
    return
  }
  func.func @transform_0(%arg0: i32) -> (i32, i32) {
    %c0_i32 = arith.constant 0 : i32
    %c0_i32_0 = arith.constant 0 : i32
    return %arg0, %c0_i32 : i32, i32
  }
  func.func @transform_1(%arg0: i32) -> (i32, i32, i32) {
    %c0_i32 = arith.constant 0 : i32
    %c0_i32_0 = arith.constant 0 : i32
    %c0_i32_1 = arith.constant 0 : i32
    return %c0_i32, %arg0, %c0_i32_0 : i32, i32, i32
  }
  func.func @transform_2(%arg0: i32) -> (i32, i32) {
    %c0_i32 = arith.constant 0 : i32
    %c0_i32_0 = arith.constant 0 : i32
    %c0_i32_1 = arith.constant 0 : i32
    return %c0_i32, %c0_i32_0 : i32, i32
  }
  func.func @transform_3(%arg0: i32) -> (i32, i32) {
    %c0_i32 = arith.constant 0 : i32
    %c0_i32_0 = arith.constant 0 : i32
    %c0_i32_1 = arith.constant 0 : i32
    return %c0_i32, %c0_i32_0 : i32, i32
  }
  func.func @transform_4(%arg0: i32) -> (i32, i32) {
    %c0_i32 = arith.constant 0 : i32
    %c0_i32_0 = arith.constant 0 : i32
    %c0_i32_1 = arith.constant 0 : i32
    return %c0_i32, %c0_i32_0 : i32, i32
  }
  func.func @transform_5(%arg0: i32) -> (i32, i32) {
    %c0_i32 = arith.constant 0 : i32
    %c0_i32_0 = arith.constant 0 : i32
    return %arg0, %c0_i32 : i32, i32
  }
}

</mosaic_0001>

<sc_bundles>
// kernel: kernel.10.cloned.1.call-start
scs
__scs_entry_jumppad:
0x0: {  	(pc) =	sbr.rel $0x88, $3  }
0x1: {  	(tag) =	ssettag $0x0;
	lr =	simm.s32 $0x1  }
0x2: {  	[smem:$0x3F8A] =	sst lr;
	_ =	strace $0xD0000000  }
0x3: {  	_ = 	snop  }
0x4: {  	_ = 	snop  }
0x5: {  	_ = 	snop  }
0x6: {  	_ = 	snop  }
0x7: {  	_ = 	snop  }
__scs_overlays_trampoline_lowered:
0x8: {  	[smem:$0x3F99] =	sst s0  }
0x9: {  	[smem:$0x3F9A] =	sst s1  }
0xa: {  	[smem:$0x3F9B] =	sst s2  }
0xb: {  	[smem:$0x3F9C] =	sst s3  }
0xc: {  	[smem:$0x3F9D] =	sst s4  }
0xd: {  	[smem:$0x3F9E] =	sst s5  }
0xe: {  	[smem:$0x3F9F] =	sst s6  }
0xf: {  	[smem:$0x3FA0] =	sst s7  }
0x10: {  	[smem:$0x3FA1] =	sst s8  }
0x11: {  	[smem:$0x3FA2] =	sst s9;
	s0 =	simm.s32 @!p0 $0x0  }
0x12: {  	s1 =	sld [smem:$0x3F88];
	s0 =	simm.s32 @p0 $0x1  }
0x13: {  	[smem:$0x3FA3] =	sst s0;
	s0 =	simm.s32 @!p1 $0x0  }
0x14: {  	s2 =	sld [smem:$0x3F87];
	s0 =	simm.s32 @p1 $0x1  }
0x15: {  	[smem:$0x3FA4] =	sst s0;
	s0 =	simm.s32 @!p2 $0x0  }
0x16: {  	s3 =	sld [smem:$0x3FDB];
	s0 =	simm.s32 @p2 $0x1  }
0x17: {  	s4 =	simm.s32 $0x1BF5;
	[smem:$0x3FA6] =	sst s0  }
0x18: {  	s0 =	sld [smem:$0x3F89];
	_ =	swait.ge [sflag:s4], $0x0  }
0x19: {  	s7 =	sld [smem:$0x3F8A]  }
0x1a: {  	s8 =	sadd.s32 $0xFFFFE003, lr  }
0x1b: {  	s9 =	sadd.s32 $0xFFFFFEF7, lr;
	s5 =	simm.s32 $0xFFFFFFFF;
	p2 =	slt.u32 s8, $0xFFFFF086  }
0x1c: {  	p1 =	slt.u32 s9, $0xF7A;
	s5 =	simm.s32 @!p2 $0x0  }
0x1d: {  	s5 =	simm.s32 @p1 $0x1;
	p0 =	seq.s32 s7, s2  }
0x1e: {  	s7 =	smul.u32 @!p0 $0xF7A, s2;
	p2 =	seq.s32 @!p0 s5, $0x0  }
0x1f: {  	s9 =	smul.u32 $0xF7A, s1;
	s8 =	simm.s32 @!p0 $0x1BF5;
	p2 =	por !p2, p0  }
0x20: {  	[sflag:s8] =	ssyncset.s32 @!p0 $0xFFFFF086;
	s6 =	sadd.s32 @!p0 s3, s7;
	s7 =	simm.s32 @!p0 $0x108  }
0x21: {  	s3 =	sadd.s32 s3, s9;
	s6 =	sadd.s32 @!p0 $0x88, s6;
	s7 =	simm.s32 @p2 $0x1082  }
0x22: {  	[simem:s7], [sflag:s8] =	dma.local @!p0 [hbm:s6], $0xF7A  }
0x23: {  	s9 =	sor.u32 $0xD0000000, s2;
	s6 =	simm.s32 $0x108;
	_ =	swait.ge @!p0 [sflag:s8], $0x0  }
0x24: {  	s3 =	sadd.s32 $0x88, s3;
	s6 =	simm.s32 @!p1 $0x1082;
	[sflag:s4] =	ssyncset.s32 $0xFFFFF086  }
0x25: {  	[simem:s6], [sflag:s4] =	dma.local [hbm:s3], $0xF7A  }
0x26: {  	[smem:$0x3F8A] =	sst s1;
	(tag) =	ssettag s2;
	_ =	strace s9  }
0x27: {  	s1 =	sld [smem:$0x3F9A]  }
0x28: {  	s2 =	sld [smem:$0x3F9B]  }
0x29: {  	s4 =	sld [smem:$0x3F9D]  }
0x2a: {  	p0 =	seq.s32 s5, $0x0;
	s5 =	sld [smem:$0x3F9E]  }
0x2b: {  	s6 =	sld [smem:$0x3F9F]  }
0x2c: {  	s7 =	sld [smem:$0x3FA0]  }
0x2d: {  	s3 =	simm.s32 $0x108;
	s8 =	sld [smem:$0x3FA1]  }
0x2e: {  	s3 =	simm.s32 @!p0 $0x1082;
	s9 =	sld [smem:$0x3FA2]  }
0x2f: {  	lr =	sadd.s32 s0, s3;
	s0 =	sld [smem:$0x3F99]  }
0x30: {  	s3 =	sld [smem:$0x3F9C]  }
0x31: {  	[smem:$0x3FA5] =	sst s10  }
0x32: {  	s10 =	sld [smem:$0x3FA3];
	_ =	sdelay $0x3  }
0x33: {  	p0 =	seq.s32 s10, $0x1;
	s10 =	sld [smem:$0x3FA5];
	_ =	sdelay $0x3  }
0x34: {  	[smem:$0x3FA5] =	sst s10  }
0x35: {  	s10 =	sld [smem:$0x3FA4];
	_ =	sdelay $0x3  }
0x36: {  	p1 =	seq.s32 s10, $0x1;
	s10 =	sld [smem:$0x3FA5];
	_ =	sdelay $0x3  }
0x37: {  	[smem:$0x3FA5] =	sst s10  }
0x38: {  	s10 =	sld [smem:$0x3FA6]  }
0x39: {  	_ = 	snop;
	(pc) =	sbr.ind lr, $3  }
0x3a: {  	_ = 	snop  }
0x3b: {  	_ = 	snop  }
0x3c: {  	p2 =	seq.s32 s10, $0x1;
	s10 =	sld [smem:$0x3FA5]  }
0x3d: {  	_ =	shalt  }
0x3e: {  	_ =	shalt  }
0x3f: {  	_ =	shalt  }
0x40: {  	_ =	shalt  }
0x41: {  	_ =	shalt  }
0x42: {  	_ =	shalt  }
0x43: {  	_ =	shalt  }
0x44: {  	_ =	shalt  }
0x45: {  	_ =	shalt  }
0x46: {  	_ =	shalt  }
0x47: {  	_ =	shalt  }
0x48: {  	_ =	shalt  }
0x49: {  	_ =	shalt  }
0x4a: {  	_ =	shalt  }
0x4b: {  	_ =	shalt  }
0x4c: {  	_ =	shalt  }
0x4d: {  	_ =	shalt  }
0x4e: {  	_ =	shalt  }
0x4f: {  	_ =	shalt  }
0x50: {  	_ =	shalt  }
0x51: {  	_ =	shalt  }
0x52: {  	_ =	shalt  }
0x53: {  	_ =	shalt  }
0x54: {  	_ =	shalt  }
0x55: {  	_ =	shalt  }
0x56: {  	_ =	shalt  }
0x57: {  	_ =	shalt  }
0x58: {  	_ =	shalt  }
0x59: {  	_ =	shalt  }
0x5a: {  	_ =	shalt  }
0x5b: {  	_ =	shalt  }
0x5c: {  	_ =	shalt  }
0x5d: {  	_ =	shalt  }
0x5e: {  	_ =	shalt  }
0x5f: {  	_ =	shalt  }
0x60: {  	_ =	shalt  }
0x61: {  	_ =	shalt  }
0x62: {  	_ =	shalt  }
0x63: {  	_ =	shalt  }
0x64: {  	_ =	shalt  }
0x65: {  	_ =	shalt  }
0x66: {  	_ =	shalt  }
0x67: {  	_ =	shalt  }
0x68: {  	_ =	shalt  }
0x69: {  	_ =	shalt  }
0x6a: {  	_ =	shalt  }
0x6b: {  	_ =	shalt  }
0x6c: {  	_ =	shalt  }
0x6d: {  	_ =	shalt  }
0x6e: {  	_ =	shalt  }
0x6f: {  	_ =	shalt  }
0x70: {  	_ =	shalt  }
0x71: {  	_ =	shalt  }
0x72: {  	_ =	shalt  }
0x73: {  	_ =	shalt  }
0x74: {  	_ =	shalt  }
0x75: {  	_ =	shalt  }
0x76: {  	_ =	shalt  }
0x77: {  	_ =	shalt  }
0x78: {  	_ =	shalt  }
0x79: {  	_ =	shalt  }
0x7a: {  	_ =	shalt  }
0x7b: {  	_ =	shalt  }
0x7c: {  	_ =	shalt  }
0x7d: {  	_ =	shalt  }
0x7e: {  	_ =	shalt  }
0x7f: {  	_ =	shalt  }
0x80: {  	_ =	shalt  }
0x81: {  	_ =	shalt  }
0x82: {  	_ =	shalt  }
0x83: {  	_ =	shalt  }
0x84: {  	_ =	shalt  }
0x85: {  	_ =	shalt  }
0x86: {  	_ =	shalt  }
0x87: {  	_ =	shalt  }
.Lfunc_end0:
.L_simem_size_0:
called_computation.1_lowered:
.L_overlay_start_0:
0x88: {  	s2 =	sld [smem:$0x3FD9]  }
0x89: {  	s3 =	sld [smem:$0x3FFE];
	_ =	sdelay $0x1  }
0x8a: {  	s1 =	srdreg.scid  }
0x8b: {  	s0 =	sand.u32 $0x1, s1  }
0x8c: {  	s14 =	sshll.u32 s0, $0xA;
	s2 =	sadd.s32 s3, s2  }
0x8d: {  	s2 =	sadd.s32 s2, s14  }
0x8e: {  	[smem:$0x3FB1] =	sst s2  }
0x8f: {  	_ = 	snop  }
0x90: {  	s2 =	sld [smem:$0x3FD0];
	_ =	sdelay $0x2  }
0x91: {  	s15 =	simm.s32 $0xA;
	s4 =	simm.s32 $0x10  }
0x92: {  	[smem:s4], [sflag:s15] =	dma.local [hbm:s2], $0x1  }
0x93: {  	_ =	swait.eq [sflag:s15], $0x1  }
0x94: {  	[sflag:s15] =	ssyncset.done $0x0  }
0x95: {  	[sflag:s15] =	ssyncadd.s32 $0xFFFFFFFF  }
0x96: {  	s16 =	sld [smem:$0x10];
	(tm) =	ssettm $0x1  }
0x97: {  	s17 =	sld [smem:$0x3FFB];
	_ =	sdelay $0x3  }
0x98: {  	_ =	strace s17  }
0x99: {  	s3 =	sld [smem:$0x3FFC];
	_ =	sdelay $0x3  }
0x9a: {  	_ =	strace s3  }
0x9b: {  	s3 =	sld [smem:$0x3FFD];
	_ =	sdelay $0x3  }
0x9c: {  	_ =	strace s3  }
0x9d: {  	_ =	strace $0x8FFFFFFF  }
0x9e: {  	s18 =	sld [smem:$0x3FDB];
	_ =	sdelay $0x1  }
0x9f: {  	s19 =	simm.s32 $_scs_section_size  }
0xa0: {  	s5 =	simm.s32 $_size__tile_overlayer_lowered;
	s6 =	simm.s32 $_tile_overlayer_lowered  }
0xa1: {  	s22 =	simm.s32 $0x1BFF;
	s21 =	sshll.u32 s6, $0x1;
	s3 =	sadd.s32 s19, s18  }
0xa2: {  	s7 =	simm.s32 $0x0;
	s20 =	sshll.u32 s5, $0x1;
	s5 =	sadd.s32 s21, s3  }
0xa3: {  	[timem:s7], [sflag:s22] =	dma.local [hbm:s5], s20  }
0xa4: {  	_ =	swait.ge [sflag:s22], s20  }
0xa5: {  	s4 =	ssub.s32 $0x0, s20;
	[sflag:s22] =	ssyncset.done $0x0  }
0xa6: {  	[sflag:s22] =	ssyncadd.s32 s4;
	_ =	sdelay $0x1  }
0xa7: {  	s23 =	simm.s32 $0x1B8B  }
0xa8: {  	_ =	swait.ge [sflag:s23], $0x1  }
0xa9: {  	[sflag:s23] =	ssyncset.done $0x0  }
0xaa: {  	s25 =	simm.s32 $0x1B8E;
	s24 =	sld [smem:$0x3FFE];
	[sflag:s23] =	ssyncadd.s32 $0xFFFFFFFF  }
0xab: {  	s26 =	simm.s32 $execute0_lowered;
	[smem:$0x3FD2] =	sst s25  }
0xac: {  	s5 =	sshll.u32 s26, $0x1;
	_ =	strace $0x80000049;
	[dreg:$0x1] =	wrdreg $0xFFFFFFFF  }
0xad: {  	s28 =	simm.s32 $_size_execute0_lowered;
	s3 =	sadd.s32 s3, s5;
	[dreg:$0x0] =	wrdreg $0x0  }
0xae: {  	s5 =	sshll.u32 s28, $0x1;
	[dreg:$0x2] =	wrdreg s3  }
0xaf: {  	[dreg:$0x3] =	wrdreg s5  }
0xb0: {  	[dreg:$0x4] =	wrdreg $0xC0  }
0xb1: {  	_ =	task [dreg:s7], $0x5FFFF  }
0xb2: {  	[dreg:$0x1] =	wrdreg $0xFFFFFFFF  }
0xb3: {  	[dreg:$0x0] =	wrdreg $0x60  }
0xb4: {  	[dreg:$0x2] =	wrdreg s24  }
0xb5: {  	[dreg:$0x3] =	wrdreg s16  }
0xb6: {  	[dreg:$0x4] =	wrdreg $0x0  }
0xb7: {  	[dreg:$0x5] =	wrdreg $0x9  }
0xb8: {  	_ =	task.clear_ibuf [dreg:s7], $0x6FFFF;
	_ =	strace $0x90000049  }
0xb9: {  	s29 =	simm.s32 $0x9;
	_ =	strace $0x8000004B  }
0xba: {  	_ =	swait.ge [sflag:s29], $0x1  }
0xbb: {  	[sflag:s29] =	ssyncadd.s32 $0xFFFFFFFF  }
0xbc: {  	_ =	strace $0x9000004B  }
0xbd: {  	_ =	sfence  }
0xbe: {  	s30 =	sld [smem:$0x0];
	_ =	sdelay $0x2  }
0xbf: {  	s31 =	sshll.u32 s1, $0xD;
	s1 =	sshrl.u32 s1, $0x2  }
0xc0: {  	s3 =	sand.u32 $0x4000, s31;
	s1 =	sadd.s32 s1, s30  }
0xc1: {  	s0 =	sor.u32 s3, s0;
	s1 =	sshll.u32 s1, $0x11  }
0xc2: {  	s0 =	sor.u32 s1, s0  }
0xc3: {  	s0 =	sadd.s32 $0x8F2B, s0  }
0xc4: {  	[sflag:s0] =	ssyncadd.remote.s32 $0x1  }
0xc5: {  	_ =	sfence.sel $0xFFFF  }
0xc6: {  	[dreg:$0x0] =	wrdreg $0xFFFFFFFF;
	(pc) =	sbr.abs _section_cstart, $3  }
0xc7: {  	[dreg:$0x1] =	wrdreg $0xFFFFFFFF  }
0xc8: {  	_ =	task.clear_ibuf [dreg:s7], $0x2FFFF;
	_ =	strace $0x9FFFFFFF  }
0xc9: {  	(tm) =	ssettm $0x7FFFFFFF  }
tec
execute0_lowered:
.L_overlay_start_1:
0x0: {  	(tag) =	ssettag $0x1  }
0x1: {  	s1 =	srdreg.scid;
	s6 =	rddreg [dreg:$0x0]  }
0x2: {  	s0 =	stileid.u32;
	s2 =	rddreg [dreg:$0x1];
	s15 =	simm.s32 $0x1  }
0x3: {  	s16 =	simm.s32 $0x13900;
	s17 =	simm.s32 $0x80;
	s25 =	smul.u32 $0x9C, s0  }
0x4: {  	s18 =	simm.s32 $0x0;
	s5 =	sand.u32 $0x1, s1;
	s28 =	smul.u32 $0x4F000, s0  }
0x5: {  	s3 =	sshll.u32 s0, $0x1;
	s1 =	rddreg [dreg:$0x3];
	s30 =	smul.u32 $0x13C00, s0  }
0x6: {  	p0 =	slt.u32 s0, $0x2;
	s4 =	smul.u32 $0x4E, s5;
	s7 =	sor.u32 s5, s3  }
0x7: {  	s3 =	rddreg [dreg:$0x2];
	s26 =	ssub.s32 $0x2, s5;
	s12 =	smul.u32 $0x138800, s5  }
0x8: {  	s5 =	simm.s32 $0x4F;
	s7 =	smin.u32 s7, $0x4;
	s11 =	sshrl.u32 s26, $0x1  }
0x9: {  	s29 =	sshrl.u32 s28, $0x2;
	s14 =	sadd.s32 $0x128400, s3;
	s5 =	simm.s32 @!p0 $0x4E  }
0xa: {  	p0 =	seq.s32 s0, $0xF;
	s8 =	sadd.s32 s4, s25;
	s4 =	simm.s32 $0x0  }
0xb: {  	s11 =	ssub.s32 s26, s11;
	s13 =	sadd.s32 s29, s3;
	s31 =	sshrl.u32 s12, $0x3  }
0xc: {  	s7 =	sadd.s32 s7, s8;
	[smem:$0x7FF] =	sst s4;
	s13 =	sshrl.u32 @!p0 s13, $0x3  }
0xd: {  	s8 =	sshll.u32 s7, $0x4;
	_ =	strace $0x8000004A;
	s7 =	sshll.u32 s7, $0xB  }
0xe: {  	s10 =	sadd.s32 s8, s6;
	s9 =	sadd.s32 s7, s6;
	s7 =	sadd.s32 s30, s12  }
0xf: {  	s6 =	sadd.s32 $0xE200, s6;
	s12 =	sshll.u32 @!p0 s0, $0x6;
	s7 =	sshrl.u32 s7, $0x3  }
0x10: {  	s8 =	sadd.s32 s6, s31;
	s9 =	sadd.s32 $0x1DA8400, s9;
	s10 =	sadd.s32 $0x4400, s10  }
0x11: {  	s12 =	sor.u32 @!p0 $0x1C01, s12;
	s6 =	sadd.s32 s6, s7;
	s7 =	sadd.s32 $0x25080, s8  }
0x12: {  	s8 =	smax.u32 s11, $0x1;
	s11 =	sshrl.u32 @p0 s14, $0x3;
	s14 =	simm.s32 $0x13880  }
.LBB2_1:
0x13: {  	s21 =	simm.s32 @p0 $0x1FC1;
	s20 =	simm.s32 @p0 $0x1  }
0x14: {  	[spmem:s11], [sflag:s21] =	dma.local @p0 [hbm:s2], $0x2080  }
0x15: {  	_ =	swait.ge @p0 [sflag:s20], $0x2080  }
0x16: {  	[sflag:s20] =	ssyncset.done @p0 $0x0  }
0x17: {  	s19 =	simm.s32 @!p0 $0x1;
	[sflag:s20] =	ssyncadd.s32 @p0 $0xFFFFDF80  }
0x18: {  	[spmem:s13], [sflag:s12] =	dma.local @!p0 [hbm:s2], $0x2780  }
0x19: {  	_ =	swait.ge @!p0 [sflag:s19], $0x2780  }
0x1a: {  	[sflag:s19] =	ssyncset.done @!p0 $0x0  }
0x1b: {  	[sflag:s19] =	ssyncadd.s32 @!p0 $0xFFFFD880  }
0x1c: {  	[bflag:$0x0] =	sbarrier.arrive $0xFFFF  }
0x1d: {  	[tilespmem:s14], [sflag:$0x1] =	stream.linear.gather [hbm4b:s10+s4], $0x80, $0x38;
	[tilespmem:$0x17900] =	vst v63  }
0x1e: {  	_ =	swait.ge [sflag:s15], $0x80  }
0x1f: {  	[sflag:s15] =	ssyncset.done $0x0  }
0x20: {  	[sflag:s15] =	ssyncadd.s32 $0xFFFFFF80  }
0x21: {  	[tilespmem:s16], [sflag:$0x1] =	stream.linear.gather [hbm4b:s9+s4], $0x4000, $0x38;
	[tilespmem:$0x17900] =	vst v63  }
0x22: {  	p1 =	sne.s32 s5, $0x1;
	_ =	swait.ge [sflag:s15], $0x4000  }
.Ltmp0:
0x23: {  	[sflag:s15] =	ssyncset.done $0x0;
	(pc) =	sbr.rel @!p1 .LBB2_3-.Ltmp0, $4  }
0x24: {  	[sflag:s15] =	ssyncadd.s32 $0xFFFFC000  }
0x25: {  	[spmem:s3] =	stream.indirect.scatter.add.f32 [tilespmem:s16], [sflag:$0x1], $0x80, s14, s17, $0xb8;
	[tilespmem:$0x17900] =	vst v63  }
0x26: {  	s22 =	sadd.s32 $0xFFFFFFFF, s5;
	_ =	swait.ge [sflag:s15], $0x4000  }
0x27: {  	s23 =	smov.u32 s9;
	s24 =	smov.u32 s10;
	[sflag:s15] =	ssyncset.done $0x0  }
.LBB2_2:
0x28: {  	[sflag:s15] =	ssyncadd.s32 $0xFFFFC000;
	s23 =	sadd.s32 $0x800, s23;
	s24 =	sadd.s32 $0x10, s24  }
0x29: {  	[tilespmem:s14], [sflag:$0x1] =	stream.linear.gather [hbm4b:s24+s4], $0x80, $0x38;
	[tilespmem:$0x17900] =	vst v63  }
0x2a: {  	p1 =	sne.s32 s22, $0x1;
	s22 =	sadd.s32 $0xFFFFFFFF, s22;
	_ =	swait.ge [sflag:s15], $0x80  }
0x2b: {  	[sflag:s15] =	ssyncset.done $0x0  }
0x2c: {  	[sflag:s15] =	ssyncadd.s32 $0xFFFFFF80  }
0x2d: {  	[tilespmem:s16], [sflag:$0x1] =	stream.linear.gather [hbm4b:s23+s4], $0x4000, $0x38;
	[tilespmem:$0x17900] =	vst v63  }
0x2e: {  	_ =	swait.ge [sflag:s15], $0x4000  }
.Ltmp1:
0x2f: {  	[sflag:s15] =	ssyncset.done $0x0;
	(pc) =	sbr.rel @p1 .LBB2_2-.Ltmp1, $4  }
0x30: {  	[sflag:s15] =	ssyncadd.s32 $0xFFFFC000  }
0x31: {  	[spmem:s3] =	stream.indirect.scatter.add.f32 [tilespmem:s16], [sflag:$0x1], $0x80, s14, s17, $0xb8;
	[tilespmem:$0x17900] =	vst v63  }
0x32: {  	_ =	swait.ge [sflag:s15], $0x4000  }
0x33: {  	[sflag:s15] =	ssyncset.done $0x0  }
.LBB2_3:
0x34: {  	[sflag:s15] =	ssyncadd.s32 $0xFFFFC000  }
0x35: {  	[bflag:$0x0] =	sbarrier.arrive $0xFFFF  }
0x36: {  	[hbm:s7], [sflag:s21] =	dma.local @p0 [spmem:s11], $0x2080  }
0x37: {  	s18 =	sadd.s32 $0x1, s18;
	_ =	swait.ge @p0 [sflag:s20], $0x2080  }
0x38: {  	p1 =	sne.s32 s18, s8;
	[sflag:s20] =	ssyncset.done @p0 $0x0  }
.Ltmp2:
0x39: {  	[sflag:s20] =	ssyncadd.s32 @p0 $0xFFFFDF80;
	(pc) =	sbr.rel @p1 .LBB2_1-.Ltmp2, $4  }
0x3a: {  	[hbm:s6], [sflag:s12] =	dma.local @!p0 [spmem:s13], $0x2780  }
0x3b: {  	_ =	swait.ge @!p0 [sflag:s19], $0x2780  }
0x3c: {  	[sflag:s19] =	ssyncset.done @!p0 $0x0  }
0x3d: {  	[sflag:s19] =	ssyncadd.s32 @!p0 $0xFFFFD880  }
0x3e: {  	_ =	sfence.sel $0x180000  }
0x3f: {  	[bflag:$0x0] =	sbarrier.arrive $0xFFFF  }
0x40: {  	p0 =	sne.s32 s0, $0x0;
	_ =	strace $0x9000004A  }
0x41: {  	s0 =	sadd.s32 @!p0 $0x100000, s1;
	[bflag:$0x2] =	sbarrier.arrive $0xFFFF  }
0x42: {  	[sflag:s0] =	ssyncadd.tile.s32 @!p0 $0x1;
	_ =	shalt  }
.Lfunc_end2:
_tile_overlayer_lowered:
.L_overlay_start_2:
0x43: {  	(tag) =	ssettag $0x2  }
0x44: {  	s0 =	rddreg [dreg:$0x0];
	s2 =	stileid.u32  }
0x45: {  	s1 =	rddreg [dreg:$0x1];
	p0 =	sne.s32 s2, $0x0  }
0x46: {  	s3 =	rddreg [dreg:$0x2];
	[bflag:$0x3] =	sbarrier.arrive $0xFFFF;
	s2 =	simm.s32 @!p0 $0x1C01  }
0x47: {  	[timem:s3], [sflag:s2] =	dma.local @!p0 [hbm:s0], s1  }
0x48: {  	s0 =	simm.s32 @!p0 $0x1  }
0x49: {  	_ =	swait.ge @!p0 [sflag:s0], s1  }
0x4a: {  	s1 =	ssub.s32 @!p0 $0x0, s1;
	[sflag:s0] =	ssyncset.done @!p0 $0x0  }
0x4b: {  	[sflag:s0] =	ssyncadd.s32 @!p0 s1  }
0x4c: {  	[bflag:$0x3] =	sbarrier.arrive $0xFFFF  }
0x4d: {  	_ =	shalt  }

// kernel: kernel.7.cloned.1.call-start
scs
__scs_entry_jumppad:
0x0: {  	(pc) =	sbr.rel $0x88, $3  }
0x1: {  	(tag) =	ssettag $0x0;
	lr =	simm.s32 $0x1  }
0x2: {  	[smem:$0x3F8A] =	sst lr;
	_ =	strace $0xD0000000  }
0x3: {  	_ = 	snop  }
0x4: {  	_ = 	snop  }
0x5: {  	_ = 	snop  }
0x6: {  	_ = 	snop  }
0x7: {  	_ = 	snop  }
__scs_overlays_trampoline_lowered:
0x8: {  	[smem:$0x3F99] =	sst s0  }
0x9: {  	[smem:$0x3F9A] =	sst s1  }
0xa: {  	[smem:$0x3F9B] =	sst s2  }
0xb: {  	[smem:$0x3F9C] =	sst s3  }
0xc: {  	[smem:$0x3F9D] =	sst s4  }
0xd: {  	[smem:$0x3F9E] =	sst s5  }
0xe: {  	[smem:$0x3F9F] =	sst s6  }
0xf: {  	[smem:$0x3FA0] =	sst s7  }
0x10: {  	[smem:$0x3FA1] =	sst s8  }
0x11: {  	[smem:$0x3FA2] =	sst s9;
	s0 =	simm.s32 @!p0 $0x0  }
0x12: {  	s1 =	sld [smem:$0x3F88];
	s0 =	simm.s32 @p0 $0x1  }
0x13: {  	[smem:$0x3FA3] =	sst s0;
	s0 =	simm.s32 @!p1 $0x0  }
0x14: {  	s2 =	sld [smem:$0x3F87];
	s0 =	simm.s32 @p1 $0x1  }
0x15: {  	[smem:$0x3FA4] =	sst s0;
	s0 =	simm.s32 @!p2 $0x0  }
0x16: {  	s3 =	sld [smem:$0x3FDB];
	s0 =	simm.s32 @p2 $0x1  }
0x17: {  	s4 =	simm.s32 $0x1BF5;
	[smem:$0x3FA6] =	sst s0  }
0x18: {  	s0 =	sld [smem:$0x3F89];
	_ =	swait.ge [sflag:s4], $0x0  }
0x19: {  	s7 =	sld [smem:$0x3F8A]  }
0x1a: {  	s8 =	sadd.s32 $0xFFFFE003, lr  }
0x1b: {  	s9 =	sadd.s32 $0xFFFFFEF7, lr;
	s5 =	simm.s32 $0xFFFFFFFF;
	p2 =	slt.u32 s8, $0xFFFFF086  }
0x1c: {  	p1 =	slt.u32 s9, $0xF7A;
	s5 =	simm.s32 @!p2 $0x0  }
0x1d: {  	s5 =	simm.s32 @p1 $0x1;
	p0 =	seq.s32 s7, s2  }
0x1e: {  	s7 =	smul.u32 @!p0 $0xF7A, s2;
	p2 =	seq.s32 @!p0 s5, $0x0  }
0x1f: {  	s9 =	smul.u32 $0xF7A, s1;
	s8 =	simm.s32 @!p0 $0x1BF5;
	p2 =	por !p2, p0  }
0x20: {  	[sflag:s8] =	ssyncset.s32 @!p0 $0xFFFFF086;
	s6 =	sadd.s32 @!p0 s3, s7;
	s7 =	simm.s32 @!p0 $0x108  }
0x21: {  	s3 =	sadd.s32 s3, s9;
	s6 =	sadd.s32 @!p0 $0x88, s6;
	s7 =	simm.s32 @p2 $0x1082  }
0x22: {  	[simem:s7], [sflag:s8] =	dma.local @!p0 [hbm:s6], $0xF7A  }
0x23: {  	s9 =	sor.u32 $0xD0000000, s2;
	s6 =	simm.s32 $0x108;
	_ =	swait.ge @!p0 [sflag:s8], $0x0  }
0x24: {  	s3 =	sadd.s32 $0x88, s3;
	s6 =	simm.s32 @!p1 $0x1082;
	[sflag:s4] =	ssyncset.s32 $0xFFFFF086  }
0x25: {  	[simem:s6], [sflag:s4] =	dma.local [hbm:s3], $0xF7A  }
0x26: {  	[smem:$0x3F8A] =	sst s1;
	(tag) =	ssettag s2;
	_ =	strace s9  }
0x27: {  	s1 =	sld [smem:$0x3F9A]  }
0x28: {  	s2 =	sld [smem:$0x3F9B]  }
0x29: {  	s4 =	sld [smem:$0x3F9D]  }
0x2a: {  	p0 =	seq.s32 s5, $0x0;
	s5 =	sld [smem:$0x3F9E]  }
0x2b: {  	s6 =	sld [smem:$0x3F9F]  }
0x2c: {  	s7 =	sld [smem:$0x3FA0]  }
0x2d: {  	s3 =	simm.s32 $0x108;
	s8 =	sld [smem:$0x3FA1]  }
0x2e: {  	s3 =	simm.s32 @!p0 $0x1082;
	s9 =	sld [smem:$0x3FA2]  }
0x2f: {  	lr =	sadd.s32 s0, s3;
	s0 =	sld [smem:$0x3F99]  }
0x30: {  	s3 =	sld [smem:$0x3F9C]  }
0x31: {  	[smem:$0x3FA5] =	sst s10  }
0x32: {  	s10 =	sld [smem:$0x3FA3];
	_ =	sdelay $0x3  }
0x33: {  	p0 =	seq.s32 s10, $0x1;
	s10 =	sld [smem:$0x3FA5];
	_ =	sdelay $0x3  }
0x34: {  	[smem:$0x3FA5] =	sst s10  }
0x35: {  	s10 =	sld [smem:$0x3FA4];
	_ =	sdelay $0x3  }
0x36: {  	p1 =	seq.s32 s10, $0x1;
	s10 =	sld [smem:$0x3FA5];
	_ =	sdelay $0x3  }
0x37: {  	[smem:$0x3FA5] =	sst s10  }
0x38: {  	s10 =	sld [smem:$0x3FA6]  }
0x39: {  	_ = 	snop;
	(pc) =	sbr.ind lr, $3  }
0x3a: {  	_ = 	snop  }
0x3b: {  	_ = 	snop  }
0x3c: {  	p2 =	seq.s32 s10, $0x1;
	s10 =	sld [smem:$0x3FA5]  }
0x3d: {  	_ =	shalt  }
0x3e: {  	_ =	shalt  }
0x3f: {  	_ =	shalt  }
0x40: {  	_ =	shalt  }
0x41: {  	_ =	shalt  }
0x42: {  	_ =	shalt  }
0x43: {  	_ =	shalt  }
0x44: {  	_ =	shalt  }
0x45: {  	_ =	shalt  }
0x46: {  	_ =	shalt  }
0x47: {  	_ =	shalt  }
0x48: {  	_ =	shalt  }
0x49: {  	_ =	shalt  }
0x4a: {  	_ =	shalt  }
0x4b: {  	_ =	shalt  }
0x4c: {  	_ =	shalt  }
0x4d: {  	_ =	shalt  }
0x4e: {  	_ =	shalt  }
0x4f: {  	_ =	shalt  }
0x50: {  	_ =	shalt  }
0x51: {  	_ =	shalt  }
0x52: {  	_ =	shalt  }
0x53: {  	_ =	shalt  }
0x54: {  	_ =	shalt  }
0x55: {  	_ =	shalt  }
0x56: {  	_ =	shalt  }
0x57: {  	_ =	shalt  }
0x58: {  	_ =	shalt  }
0x59: {  	_ =	shalt  }
0x5a: {  	_ =	shalt  }
0x5b: {  	_ =	shalt  }
0x5c: {  	_ =	shalt  }
0x5d: {  	_ =	shalt  }
0x5e: {  	_ =	shalt  }
0x5f: {  	_ =	shalt  }
0x60: {  	_ =	shalt  }
0x61: {  	_ =	shalt  }
0x62: {  	_ =	shalt  }
0x63: {  	_ =	shalt  }
0x64: {  	_ =	shalt  }
0x65: {  	_ =	shalt  }
0x66: {  	_ =	shalt  }
0x67: {  	_ =	shalt  }
0x68: {  	_ =	shalt  }
0x69: {  	_ =	shalt  }
0x6a: {  	_ =	shalt  }
0x6b: {  	_ =	shalt  }
0x6c: {  	_ =	shalt  }
0x6d: {  	_ =	shalt  }
0x6e: {  	_ =	shalt  }
0x6f: {  	_ =	shalt  }
0x70: {  	_ =	shalt  }
0x71: {  	_ =	shalt  }
0x72: {  	_ =	shalt  }
0x73: {  	_ =	shalt  }
0x74: {  	_ =	shalt  }
0x75: {  	_ =	shalt  }
0x76: {  	_ =	shalt  }
0x77: {  	_ =	shalt  }
0x78: {  	_ =	shalt  }
0x79: {  	_ =	shalt  }
0x7a: {  	_ =	shalt  }
0x7b: {  	_ =	shalt  }
0x7c: {  	_ =	shalt  }
0x7d: {  	_ =	shalt  }
0x7e: {  	_ =	shalt  }
0x7f: {  	_ =	shalt  }
0x80: {  	_ =	shalt  }
0x81: {  	_ =	shalt  }
0x82: {  	_ =	shalt  }
0x83: {  	_ =	shalt  }
0x84: {  	_ =	shalt  }
0x85: {  	_ =	shalt  }
0x86: {  	_ =	shalt  }
0x87: {  	_ =	shalt  }
.Lfunc_end0:
.L_simem_size_0:
called_computation_lowered:
.L_overlay_start_0:
0x88: {  	s2 =	sld [smem:$0x3FD9]  }
0x89: {  	s3 =	sld [smem:$0x3FFE];
	_ =	sdelay $0x1  }
0x8a: {  	s1 =	srdreg.scid  }
0x8b: {  	s0 =	sand.u32 $0x1, s1  }
0x8c: {  	s14 =	sshll.u32 s0, $0xA;
	s2 =	sadd.s32 s3, s2  }
0x8d: {  	s2 =	sadd.s32 s2, s14  }
0x8e: {  	[smem:$0x3FB1] =	sst s2  }
0x8f: {  	_ = 	snop  }
0x90: {  	s2 =	sld [smem:$0x3FD0];
	_ =	sdelay $0x2  }
0x91: {  	s15 =	simm.s32 $0xA;
	s4 =	simm.s32 $0x10  }
0x92: {  	[smem:s4], [sflag:s15] =	dma.local [hbm:s2], $0x1  }
0x93: {  	_ =	swait.eq [sflag:s15], $0x1  }
0x94: {  	[sflag:s15] =	ssyncset.done $0x0  }
0x95: {  	s16 =	sld [smem:$0x10];
	[sflag:s15] =	ssyncadd.s32 $0xFFFFFFFF  }
0x96: {  	s17 =	sld [smem:$0x11];
	(tm) =	ssettm $0x1  }
0x97: {  	s18 =	sld [smem:$0x3FFB];
	_ =	sdelay $0x3  }
0x98: {  	_ =	strace s18  }
0x99: {  	s4 =	sld [smem:$0x3FFC];
	_ =	sdelay $0x3  }
0x9a: {  	_ =	strace s4  }
0x9b: {  	s4 =	sld [smem:$0x3FFD];
	_ =	sdelay $0x3  }
0x9c: {  	_ =	strace s4  }
0x9d: {  	_ =	strace $0x8FFFFFFF  }
0x9e: {  	s19 =	sld [smem:$0x3FDB];
	_ =	sdelay $0x1  }
0x9f: {  	s5 =	simm.s32 $_scs_section_size  }
0xa0: {  	s6 =	simm.s32 $_size__tile_overlayer_lowered;
	s7 =	simm.s32 $_tile_overlayer_lowered  }
0xa1: {  	s22 =	simm.s32 $0x1BFF;
	s21 =	sshll.u32 s7, $0x1;
	s4 =	sadd.s32 s5, s19  }
0xa2: {  	s8 =	simm.s32 $0x0;
	s20 =	sshll.u32 s6, $0x1;
	s6 =	sadd.s32 s21, s4  }
0xa3: {  	[timem:s8], [sflag:s22] =	dma.local [hbm:s6], s20  }
0xa4: {  	_ =	swait.ge [sflag:s22], s20  }
0xa5: {  	s5 =	ssub.s32 $0x0, s20;
	[sflag:s22] =	ssyncset.done $0x0  }
0xa6: {  	[sflag:s22] =	ssyncadd.s32 s5;
	_ =	sdelay $0x1  }
0xa7: {  	s23 =	simm.s32 $0x1B8B  }
0xa8: {  	_ =	swait.ge [sflag:s23], $0x1  }
0xa9: {  	[sflag:s23] =	ssyncset.done $0x0  }
0xaa: {  	s25 =	simm.s32 $0x1B8E;
	s24 =	sld [smem:$0x3FFE];
	[sflag:s23] =	ssyncadd.s32 $0xFFFFFFFF  }
0xab: {  	s26 =	simm.s32 $execute0_lowered;
	[smem:$0x3FD2] =	sst s25  }
0xac: {  	s6 =	sshll.u32 s26, $0x1;
	_ =	strace $0x80000046;
	[dreg:$0x1] =	wrdreg $0xFFFFFFFF  }
0xad: {  	s28 =	simm.s32 $_size_execute0_lowered;
	s4 =	sadd.s32 s4, s6;
	[dreg:$0x0] =	wrdreg $0x0  }
0xae: {  	s6 =	sshll.u32 s28, $0x1;
	[dreg:$0x2] =	wrdreg s4  }
0xaf: {  	[dreg:$0x3] =	wrdreg s6  }
0xb0: {  	[dreg:$0x4] =	wrdreg $0xC0  }
0xb1: {  	_ =	task [dreg:s8], $0x5FFFF  }
0xb2: {  	[dreg:$0x1] =	wrdreg $0xFFFFFFFF  }
0xb3: {  	[dreg:$0x0] =	wrdreg $0x60  }
0xb4: {  	[dreg:$0x2] =	wrdreg s16  }
0xb5: {  	[dreg:$0x3] =	wrdreg s24  }
0xb6: {  	[dreg:$0x4] =	wrdreg s17  }
0xb7: {  	[dreg:$0x5] =	wrdreg $0x9  }
0xb8: {  	_ =	task.clear_ibuf [dreg:s8], $0x6FFFF;
	_ =	strace $0x90000046  }
0xb9: {  	s29 =	simm.s32 $0x9;
	_ =	strace $0x80000048  }
0xba: {  	_ =	swait.ge [sflag:s29], $0x1  }
0xbb: {  	[sflag:s29] =	ssyncadd.s32 $0xFFFFFFFF  }
0xbc: {  	_ =	strace $0x90000048  }
0xbd: {  	_ =	sfence  }
0xbe: {  	s30 =	sld [smem:$0x0];
	_ =	sdelay $0x2  }
0xbf: {  	s31 =	sshll.u32 s1, $0xD;
	s1 =	sshrl.u32 s1, $0x2  }
0xc0: {  	s3 =	sand.u32 $0x4000, s31;
	s1 =	sadd.s32 s1, s30  }
0xc1: {  	s0 =	sor.u32 s3, s0;
	s1 =	sshll.u32 s1, $0x11  }
0xc2: {  	s0 =	sor.u32 s1, s0  }
0xc3: {  	s0 =	sadd.s32 $0x8F2B, s0  }
0xc4: {  	[sflag:s0] =	ssyncadd.remote.s32 $0x1  }
0xc5: {  	_ =	sfence.sel $0xFFFF  }
0xc6: {  	[dreg:$0x0] =	wrdreg $0xFFFFFFFF;
	(pc) =	sbr.abs _section_cstart, $3  }
0xc7: {  	[dreg:$0x1] =	wrdreg $0xFFFFFFFF  }
0xc8: {  	_ =	task.clear_ibuf [dreg:s8], $0x2FFFF;
	_ =	strace $0x9FFFFFFF  }
0xc9: {  	(tm) =	ssettm $0x7FFFFFFF  }
tec
execute0_lowered:
.L_overlay_start_1:
0x0: {  	(tag) =	ssettag $0x1  }
0x1: {  	s0 =	srdreg.scid;
	s10 =	stileid.u32  }
0x2: {  	s0 =	sand.u32 $0x1, s0;
	s1 =	smul.u32 $0x9C, s10  }
0x3: {  	s5 =	rddreg [dreg:$0x0];
	s2 =	sshll.u32 s10, $0x1;
	s3 =	smul.u32 $0x4E, s0  }
0x4: {  	s6 =	rddreg [dreg:$0x1];
	s4 =	sor.u32 s0, s2  }
0x5: {  	s2 =	rddreg [dreg:$0x2];
	s1 =	sadd.s32 s3, s1;
	s3 =	simm.s32 $0x0  }
0x6: {  	s9 =	simm.s32 $0x80;
	[smem:$0x7FF] =	sst s3  }
0x7: {  	s26 =	simm.s32 $0x900;
	_ =	strace $0x80000047;
	[dreg:$0x4] =	wrdreg s9  }
0x8: {  	s31 =	simm.s32 $0x1100;
	s11 =	simm.s32 $0x2100;
	[dreg:$0x5] =	wrdreg s26  }
0x9: {  	s13 =	simm.s32 $0x2900;
	s14 =	simm.s32 $0x3100;
	[dreg:$0x6] =	wrdreg s31  }
0xa: {  	s15 =	simm.s32 $0x3900;
	s16 =	simm.s32 $0x4100;
	[dreg:$0x8] =	wrdreg s11  }
0xb: {  	s17 =	simm.s32 $0x4900;
	s0 =	ssub.s32 $0x2, s0;
	[dreg:$0x9] =	wrdreg s13  }
0xc: {  	s18 =	simm.s32 $0x5100;
	s12 =	sshrl.u32 s0, $0x1;
	[dreg:$0xa] =	wrdreg s14  }
0xd: {  	s20 =	simm.s32 $0x5900;
	s0 =	ssub.s32 s0, s12;
	[dreg:$0xb] =	wrdreg s15  }
0xe: {  	s22 =	simm.s32 $0x6100;
	s0 =	smax.u32 s0, $0x1;
	[dreg:$0xc] =	wrdreg s16  }
0xf: {  	s24 =	simm.s32 $0x6900;
	s25 =	simm.s32 $0x7100;
	[dreg:$0x15] =	wrdreg s0  }
0x10: {  	s28 =	simm.s32 $0xF900;
	s29 =	simm.s32 $0x1;
	[dreg:$0xd] =	wrdreg s17  }
0x11: {  	s30 =	simm.s32 $0x0;
	p0 =	slt.u32 s10, $0x2;
	[dreg:$0xe] =	wrdreg s18  }
0x12: {  	s4 =	smin.u32 s4, $0x4;
	s12 =	simm.s32 $0x100;
	[dreg:$0xf] =	wrdreg s20  }
0x13: {  	s1 =	sadd.s32 s4, s1;
	s4 =	sadd.s32 $0xE200, s6;
	[dreg:$0x10] =	wrdreg s22  }
0x14: {  	s7 =	sshll.u32 s1, $0x4;
	s1 =	sshll.u32 s1, $0xC;
	[dreg:$0x11] =	wrdreg s24  }
0x15: {  	s9 =	simm.s32 $0x1900;
	s11 =	simm.s32 $0x2;
	[dreg:$0x12] =	wrdreg s25  }
0x16: {  	s26 =	simm.s32 $0x7900;
	s31 =	simm.s32 $0x8900;
	s13 =	simm.s32 $0x8100  }
0x17: {  	s14 =	simm.s32 $0x9100;
	s15 =	simm.s32 $0x9900;
	s16 =	simm.s32 $0xA100  }
0x18: {  	s17 =	simm.s32 $0xA900;
	s18 =	simm.s32 $0xB100;
	s20 =	simm.s32 $0xC100  }
0x19: {  	s22 =	simm.s32 $0xD100;
	s24 =	simm.s32 $0xE100;
	s25 =	simm.s32 $0xE900  }
0x1a: {  	s8 =	sadd.s32 s7, s6;
	s1 =	sadd.s32 s1, s6;
	[dreg:$0x7] =	wrdreg s9  }
0x1b: {  	s6 =	simm.s32 $0x4F;
	s23 =	sadd.s32 s7, s5;
	[dreg:$0x13] =	wrdreg s26  }
0x1c: {  	[dreg:$0x14] =	wrdreg s31;
	s26 =	simm.s32 $0xF100;
	s6 =	simm.s32 @!p0 $0x4E  }
0x1d: {  	v2 =	vlaneseq.u32;
	s19 =	sadd.s32 $0x5C400, s1;
	s21 =	sadd.s32 $0xA20400, s1;
	[dreg:$0x18] =	wrdreg s23  }
0x1e: {  	vm0 =	vmmov $0xffff;
	v1 =	vshrl.u32 v2, $0x3;
	s10 =	sadd.s32 $0x4400, s8;
	s23 =	simm.s32 $0xD900;
	[dreg:$0x16] =	wrdreg s19  }
0x1f: {  	v0 =	vand.u32 $0x7, v2;
	v2 =	vor.u32 $0x8, v2;
	v1 =	vmul.u32 $0x8, v1;
	[dreg:$0x17] =	wrdreg s21;
	s19 =	simm.s32 $0xB900;
	s21 =	simm.s32 $0xC900  }
.LBB2_1:
0x20: {  	s9 =	rddreg [dreg:$0x18]  }
0x21: {  	s8 =	rddreg [dreg:$0x17]  }
0x22: {  	s31 =	smov.u32 s10;
	s7 =	rddreg [dreg:$0x16];
	s5 =	smov.u32 s6  }
.LBB2_2:
0x23: {  	[tilespmem:s3], [sflag:$0x2] =	stream.linear.gather [hbm4b:s9+s3], $0x80, $0x38;
	[tilespmem:$0x10100] =	vst v63  }
0x24: {  	_ =	swait.ge [sflag:s11], $0x80  }
0x25: {  	[sflag:s11] =	ssyncset.done $0x0  }
0x26: {  	s0 =	rddreg [dreg:$0x4];
	[sflag:s11] =	ssyncadd.s32 $0xFFFFFF80  }
0x27: {  	[tilespmem:s0], [sflag:$0x2] =	stream.linear.gather [hbm4b:s31+s3], $0x80, $0x38;
	[tilespmem:$0x10100] =	vst v63  }
0x28: {  	_ =	swait.ge [sflag:s11], $0x80  }
0x29: {  	[sflag:s11] =	ssyncset.done $0x0  }
0x2a: {  	[sflag:s11] =	ssyncadd.s32 $0xFFFFFF80  }
0x2b: {  	v3 =	vld [tilespmem:$0x0];
	_ =	sdelay $0x4  }
0x2c: {  	v4 =	vshll.u32 v3, $0x1  }
0x2d: {  	v3 =	vand.u32 $0x7, v3;
	v4 =	vand.u32 $0xFFFFFFF0, v4  }
0x2e: {  	v3 =	vor.u32 v3, v4  }
0x2f: {  	v4 =	vperm.xlane v3, v0;
	_ =	sdelay $0x1  }
0x30: {  	v3 =	vperm.xlane v3, v2;
	v4 =	vadd.s32 v1, v4;
	_ =	sdelay $0x1  }
0x31: {  	v3 =	vadd.s32 v1, v3;
	_ =	sdelay $0x2  }
0x32: {  	[tilespmem:s12], [sflag:$0x1] =	stream.indirect_vreg.gather [hbm4b:s4+s3], $0x80, v4, vm0, $0xb8;
	[tilespmem:$0x10100] =	vst v63  }
0x33: {  	s1 =	rddreg [dreg:$0x5]  }
0x34: {  	[tilespmem:s1], [sflag:$0x1] =	stream.indirect_vreg.gather [hbm4b:s4+s3], $0x80, v3, vm0, $0xb8;
	[tilespmem:$0x10100] =	vst v63  }
0x35: {  	v3 =	vld [tilespmem:$0x10];
	_ =	sdelay $0x4  }
0x36: {  	v49 =	vshll.u32 v3, $0x1  }
0x37: {  	v3 =	vand.u32 $0x7, v3;
	v4 =	vand.u32 $0xFFFFFFF0, v49  }
0x38: {  	v3 =	vor.u32 v3, v4  }
0x39: {  	v4 =	vperm.xlane v3, v0;
	_ =	sdelay $0x1  }
0x3a: {  	v3 =	vperm.xlane v3, v2;
	v4 =	vadd.s32 v1, v4;
	_ =	sdelay $0x1  }
0x3b: {  	v3 =	vadd.s32 v1, v3;
	_ =	sdelay $0x1  }
0x3c: {  	s0 =	rddreg [dreg:$0x6]  }
0x3d: {  	[tilespmem:s0], [sflag:$0x1] =	stream.indirect_vreg.gather [hbm4b:s4+s3], $0x80, v4, vm0, $0xb8;
	[tilespmem:$0x10100] =	vst v63  }
0x3e: {  	s1 =	rddreg [dreg:$0x7]  }
0x3f: {  	[tilespmem:s1], [sflag:$0x1] =	stream.indirect_vreg.gather [hbm4b:s4+s3], $0x80, v3, vm0, $0xb8;
	[tilespmem:$0x10100] =	vst v63  }
0x40: {  	v3 =	vld [tilespmem:$0x20];
	_ =	sdelay $0x4  }
0x41: {  	v50 =	vshll.u32 v3, $0x1  }
0x42: {  	v3 =	vand.u32 $0x7, v3;
	v4 =	vand.u32 $0xFFFFFFF0, v50  }
0x43: {  	v3 =	vor.u32 v3, v4  }
0x44: {  	v4 =	vperm.xlane v3, v0;
	_ =	sdelay $0x1  }
0x45: {  	v3 =	vperm.xlane v3, v2;
	v4 =	vadd.s32 v1, v4;
	_ =	sdelay $0x1  }
0x46: {  	v3 =	vadd.s32 v1, v3;
	_ =	sdelay $0x1  }
0x47: {  	s0 =	rddreg [dreg:$0x8]  }
0x48: {  	[tilespmem:s0], [sflag:$0x1] =	stream.indirect_vreg.gather [hbm4b:s4+s3], $0x80, v4, vm0, $0xb8;
	[tilespmem:$0x10100] =	vst v63  }
0x49: {  	s1 =	rddreg [dreg:$0x9]  }
0x4a: {  	[tilespmem:s1], [sflag:$0x1] =	stream.indirect_vreg.gather [hbm4b:s4+s3], $0x80, v3, vm0, $0xb8;
	[tilespmem:$0x10100] =	vst v63  }
0x4b: {  	v3 =	vld [tilespmem:$0x30];
	_ =	sdelay $0x4  }
0x4c: {  	v51 =	vshll.u32 v3, $0x1  }
0x4d: {  	v3 =	vand.u32 $0x7, v3;
	v4 =	vand.u32 $0xFFFFFFF0, v51  }
0x4e: {  	v3 =	vor.u32 v3, v4  }
0x4f: {  	v4 =	vperm.xlane v3, v0;
	_ =	sdelay $0x1  }
0x50: {  	v3 =	vperm.xlane v3, v2;
	v4 =	vadd.s32 v1, v4;
	_ =	sdelay $0x1  }
0x51: {  	v3 =	vadd.s32 v1, v3;
	_ =	sdelay $0x1  }
0x52: {  	s0 =	rddreg [dreg:$0xa]  }
0x53: {  	[tilespmem:s0], [sflag:$0x1] =	stream.indirect_vreg.gather [hbm4b:s4+s3], $0x80, v4, vm0, $0xb8;
	[tilespmem:$0x10100] =	vst v63  }
0x54: {  	s1 =	rddreg [dreg:$0xb]  }
0x55: {  	[tilespmem:s1], [sflag:$0x1] =	stream.indirect_vreg.gather [hbm4b:s4+s3], $0x80, v3, vm0, $0xb8;
	[tilespmem:$0x10100] =	vst v63  }
0x56: {  	v3 =	vld [tilespmem:$0x40];
	_ =	sdelay $0x4  }
0x57: {  	v52 =	vshll.u32 v3, $0x1  }
0x58: {  	v3 =	vand.u32 $0x7, v3;
	v4 =	vand.u32 $0xFFFFFFF0, v52  }
0x59: {  	v3 =	vor.u32 v3, v4  }
0x5a: {  	v4 =	vperm.xlane v3, v0;
	_ =	sdelay $0x1  }
0x5b: {  	v3 =	vperm.xlane v3, v2;
	v4 =	vadd.s32 v1, v4;
	_ =	sdelay $0x1  }
0x5c: {  	v3 =	vadd.s32 v1, v3;
	_ =	sdelay $0x1  }
0x5d: {  	s0 =	rddreg [dreg:$0xc]  }
0x5e: {  	[tilespmem:s0], [sflag:$0x1] =	stream.indirect_vreg.gather [hbm4b:s4+s3], $0x80, v4, vm0, $0xb8;
	[tilespmem:$0x10100] =	vst v63  }
0x5f: {  	s1 =	rddreg [dreg:$0xd]  }
0x60: {  	[tilespmem:s1], [sflag:$0x1] =	stream.indirect_vreg.gather [hbm4b:s4+s3], $0x80, v3, vm0, $0xb8;
	[tilespmem:$0x10100] =	vst v63  }
0x61: {  	v3 =	vld [tilespmem:$0x50];
	_ =	sdelay $0x4  }
0x62: {  	v53 =	vshll.u32 v3, $0x1  }
0x63: {  	v3 =	vand.u32 $0x7, v3;
	v4 =	vand.u32 $0xFFFFFFF0, v53  }
0x64: {  	v3 =	vor.u32 v3, v4  }
0x65: {  	v4 =	vperm.xlane v3, v0;
	_ =	sdelay $0x1  }
0x66: {  	v3 =	vperm.xlane v3, v2;
	v4 =	vadd.s32 v1, v4;
	_ =	sdelay $0x1  }
0x67: {  	v3 =	vadd.s32 v1, v3;
	_ =	sdelay $0x1  }
0x68: {  	s0 =	rddreg [dreg:$0xe]  }
0x69: {  	[tilespmem:s0], [sflag:$0x1] =	stream.indirect_vreg.gather [hbm4b:s4+s3], $0x80, v4, vm0, $0xb8;
	[tilespmem:$0x10100] =	vst v63  }
0x6a: {  	s1 =	rddreg [dreg:$0xf]  }
0x6b: {  	[tilespmem:s1], [sflag:$0x1] =	stream.indirect_vreg.gather [hbm4b:s4+s3], $0x80, v3, vm0, $0xb8;
	[tilespmem:$0x10100] =	vst v63  }
0x6c: {  	v3 =	vld [tilespmem:$0x60];
	_ =	sdelay $0x4  }
0x6d: {  	v54 =	vshll.u32 v3, $0x1  }
0x6e: {  	v3 =	vand.u32 $0x7, v3;
	v4 =	vand.u32 $0xFFFFFFF0, v54  }
0x6f: {  	v3 =	vor.u32 v3, v4  }
0x70: {  	v4 =	vperm.xlane v3, v0;
	_ =	sdelay $0x1  }
0x71: {  	v3 =	vperm.xlane v3, v2;
	v4 =	vadd.s32 v1, v4;
	_ =	sdelay $0x1  }
0x72: {  	v3 =	vadd.s32 v1, v3;
	_ =	sdelay $0x1  }
0x73: {  	s0 =	rddreg [dreg:$0x10]  }
0x74: {  	[tilespmem:s0], [sflag:$0x1] =	stream.indirect_vreg.gather [hbm4b:s4+s3], $0x80, v4, vm0, $0xb8;
	[tilespmem:$0x10100] =	vst v63  }
0x75: {  	s1 =	rddreg [dreg:$0x11]  }
0x76: {  	[tilespmem:s1], [sflag:$0x1] =	stream.indirect_vreg.gather [hbm4b:s4+s3], $0x80, v3, vm0, $0xb8;
	[tilespmem:$0x10100] =	vst v63  }
0x77: {  	v3 =	vld [tilespmem:$0x70];
	_ =	sdelay $0x4  }
0x78: {  	v55 =	vshll.u32 v3, $0x1  }
0x79: {  	v3 =	vand.u32 $0x7, v3;
	v4 =	vand.u32 $0xFFFFFFF0, v55  }
0x7a: {  	v3 =	vor.u32 v3, v4  }
0x7b: {  	v4 =	vperm.xlane v3, v0;
	_ =	sdelay $0x1  }
0x7c: {  	v3 =	vperm.xlane v3, v2;
	v4 =	vadd.s32 v1, v4;
	_ =	sdelay $0x1  }
0x7d: {  	v3 =	vadd.s32 v1, v3;
	_ =	sdelay $0x1  }
0x7e: {  	s0 =	rddreg [dreg:$0x12]  }
0x7f: {  	[tilespmem:s0], [sflag:$0x1] =	stream.indirect_vreg.gather [hbm4b:s4+s3], $0x80, v4, vm0, $0xb8;
	[tilespmem:$0x10100] =	vst v63  }
0x80: {  	s1 =	rddreg [dreg:$0x13]  }
0x81: {  	[tilespmem:s1], [sflag:$0x1] =	stream.indirect_vreg.gather [hbm4b:s4+s3], $0x80, v3, vm0, $0xb8;
	[tilespmem:$0x10100] =	vst v63  }
0x82: {  	v3 =	vld [tilespmem:$0x80];
	_ =	sdelay $0x4  }
0x83: {  	v56 =	vshll.u32 v3, $0x1  }
0x84: {  	v3 =	vand.u32 $0x7, v3;
	v4 =	vand.u32 $0xFFFFFFF0, v56  }
0x85: {  	v3 =	vor.u32 v3, v4  }
0x86: {  	v4 =	vperm.xlane v3, v0;
	_ =	sdelay $0x1  }
0x87: {  	v3 =	vperm.xlane v3, v2;
	v4 =	vadd.s32 v1, v4;
	_ =	sdelay $0x1  }
0x88: {  	v3 =	vadd.s32 v1, v3;
	_ =	sdelay $0x2  }
0x89: {  	[tilespmem:s13], [sflag:$0x1] =	stream.indirect_vreg.gather [hbm4b:s2+s3], $0x80, v4, vm0, $0xb8;
	[tilespmem:$0x10100] =	vst v63  }
0x8a: {  	s1 =	rddreg [dreg:$0x14]  }
0x8b: {  	[tilespmem:s1], [sflag:$0x1] =	stream.indirect_vreg.gather [hbm4b:s2+s3], $0x80, v3, vm0, $0xb8;
	[tilespmem:$0x10100] =	vst v63  }
0x8c: {  	v3 =	vld [tilespmem:$0x90];
	_ =	sdelay $0x4  }
0x8d: {  	v57 =	vshll.u32 v3, $0x1  }
0x8e: {  	v3 =	vand.u32 $0x7, v3;
	v4 =	vand.u32 $0xFFFFFFF0, v57  }
0x8f: {  	v3 =	vor.u32 v3, v4  }
0x90: {  	v4 =	vperm.xlane v3, v0;
	_ =	sdelay $0x1  }
0x91: {  	v3 =	vperm.xlane v3, v2;
	v4 =	vadd.s32 v1, v4;
	_ =	sdelay $0x1  }
0x92: {  	v3 =	vadd.s32 v1, v3;
	_ =	sdelay $0x2  }
0x93: {  	[tilespmem:s14], [sflag:$0x1] =	stream.indirect_vreg.gather [hbm4b:s2+s3], $0x80, v4, vm0, $0xb8;
	[tilespmem:$0x10100] =	vst v63  }
0x94: {  	_ = 	snop  }
0x95: {  	[tilespmem:s15], [sflag:$0x1] =	stream.indirect_vreg.gather [hbm4b:s2+s3], $0x80, v3, vm0, $0xb8;
	[tilespmem:$0x10100] =	vst v63  }
0x96: {  	v3 =	vld [tilespmem:$0xA0];
	_ =	sdelay $0x4  }
0x97: {  	v58 =	vshll.u32 v3, $0x1  }
0x98: {  	v3 =	vand.u32 $0x7, v3;
	v4 =	vand.u32 $0xFFFFFFF0, v58  }
0x99: {  	v3 =	vor.u32 v3, v4  }
0x9a: {  	v4 =	vperm.xlane v3, v0;
	_ =	sdelay $0x1  }
0x9b: {  	v3 =	vperm.xlane v3, v2;
	v4 =	vadd.s32 v1, v4;
	_ =	sdelay $0x1  }
0x9c: {  	v3 =	vadd.s32 v1, v3;
	_ =	sdelay $0x2  }
0x9d: {  	[tilespmem:s16], [sflag:$0x1] =	stream.indirect_vreg.gather [hbm4b:s2+s3], $0x80, v4, vm0, $0xb8;
	[tilespmem:$0x10100] =	vst v63  }
0x9e: {  	_ = 	snop  }
0x9f: {  	[tilespmem:s17], [sflag:$0x1] =	stream.indirect_vreg.gather [hbm4b:s2+s3], $0x80, v3, vm0, $0xb8;
	[tilespmem:$0x10100] =	vst v63  }
0xa0: {  	v3 =	vld [tilespmem:$0xB0];
	_ =	sdelay $0x4  }
0xa1: {  	v59 =	vshll.u32 v3, $0x1  }
0xa2: {  	v3 =	vand.u32 $0x7, v3;
	v4 =	vand.u32 $0xFFFFFFF0, v59  }
0xa3: {  	v3 =	vor.u32 v3, v4  }
0xa4: {  	v4 =	vperm.xlane v3, v0;
	_ =	sdelay $0x1  }
0xa5: {  	v3 =	vperm.xlane v3, v2;
	v4 =	vadd.s32 v1, v4;
	_ =	sdelay $0x1  }
0xa6: {  	v3 =	vadd.s32 v1, v3;
	_ =	sdelay $0x2  }
0xa7: {  	[tilespmem:s18], [sflag:$0x1] =	stream.indirect_vreg.gather [hbm4b:s2+s3], $0x80, v4, vm0, $0xb8;
	[tilespmem:$0x10100] =	vst v63  }
0xa8: {  	_ = 	snop  }
0xa9: {  	[tilespmem:s19], [sflag:$0x1] =	stream.indirect_vreg.gather [hbm4b:s2+s3], $0x80, v3, vm0, $0xb8;
	[tilespmem:$0x10100] =	vst v63  }
0xaa: {  	v3 =	vld [tilespmem:$0xC0];
	_ =	sdelay $0x4  }
0xab: {  	v60 =	vshll.u32 v3, $0x1  }
0xac: {  	v3 =	vand.u32 $0x7, v3;
	v4 =	vand.u32 $0xFFFFFFF0, v60  }
0xad: {  	v3 =	vor.u32 v3, v4  }
0xae: {  	v4 =	vperm.xlane v3, v0;
	_ =	sdelay $0x1  }
0xaf: {  	v3 =	vperm.xlane v3, v2;
	v4 =	vadd.s32 v1, v4;
	_ =	sdelay $0x1  }
0xb0: {  	v3 =	vadd.s32 v1, v3;
	_ =	sdelay $0x2  }
0xb1: {  	[tilespmem:s20], [sflag:$0x1] =	stream.indirect_vreg.gather [hbm4b:s2+s3], $0x80, v4, vm0, $0xb8;
	[tilespmem:$0x10100] =	vst v63  }
0xb2: {  	_ = 	snop  }
0xb3: {  	[tilespmem:s21], [sflag:$0x1] =	stream.indirect_vreg.gather [hbm4b:s2+s3], $0x80, v3, vm0, $0xb8;
	[tilespmem:$0x10100] =	vst v63  }
0xb4: {  	v3 =	vld [tilespmem:$0xD0];
	_ =	sdelay $0x4  }
0xb5: {  	v61 =	vshll.u32 v3, $0x1  }
0xb6: {  	v3 =	vand.u32 $0x7, v3;
	v4 =	vand.u32 $0xFFFFFFF0, v61  }
0xb7: {  	v3 =	vor.u32 v3, v4  }
0xb8: {  	v4 =	vperm.xlane v3, v0;
	_ =	sdelay $0x1  }
0xb9: {  	v3 =	vperm.xlane v3, v2;
	v4 =	vadd.s32 v1, v4;
	_ =	sdelay $0x1  }
0xba: {  	v3 =	vadd.s32 v1, v3;
	_ =	sdelay $0x2  }
0xbb: {  	[tilespmem:s22], [sflag:$0x1] =	stream.indirect_vreg.gather [hbm4b:s2+s3], $0x80, v4, vm0, $0xb8;
	[tilespmem:$0x10100] =	vst v63  }
0xbc: {  	_ = 	snop  }
0xbd: {  	[tilespmem:s23], [sflag:$0x1] =	stream.indirect_vreg.gather [hbm4b:s2+s3], $0x80, v3, vm0, $0xb8;
	[tilespmem:$0x10100] =	vst v63  }
0xbe: {  	v3 =	vld [tilespmem:$0xE0];
	_ =	sdelay $0x4  }
0xbf: {  	v62 =	vshll.u32 v3, $0x1  }
0xc0: {  	v3 =	vand.u32 $0x7, v3;
	v4 =	vand.u32 $0xFFFFFFF0, v62  }
0xc1: {  	v3 =	vor.u32 v3, v4  }
0xc2: {  	v4 =	vperm.xlane v3, v0;
	_ =	sdelay $0x1  }
0xc3: {  	v3 =	vperm.xlane v3, v2;
	v4 =	vadd.s32 v1, v4;
	_ =	sdelay $0x1  }
0xc4: {  	v3 =	vadd.s32 v1, v3;
	_ =	sdelay $0x2  }
0xc5: {  	[tilespmem:s24], [sflag:$0x1] =	stream.indirect_vreg.gather [hbm4b:s2+s3], $0x80, v4, vm0, $0xb8;
	[tilespmem:$0x10100] =	vst v63  }
0xc6: {  	_ = 	snop  }
0xc7: {  	[tilespmem:s25], [sflag:$0x1] =	stream.indirect_vreg.gather [hbm4b:s2+s3], $0x80, v3, vm0, $0xb8;
	[tilespmem:$0x10100] =	vst v63  }
0xc8: {  	v3 =	vld [tilespmem:$0xF0];
	_ =	sdelay $0x4  }
0xc9: {  	v63 =	vshll.u32 v3, $0x1  }
0xca: {  	v3 =	vand.u32 $0x7, v3;
	v4 =	vand.u32 $0xFFFFFFF0, v63  }
0xcb: {  	v3 =	vor.u32 v3, v4  }
0xcc: {  	v4 =	vperm.xlane v3, v0;
	_ =	sdelay $0x1  }
0xcd: {  	v3 =	vperm.xlane v3, v2;
	v4 =	vadd.s32 v1, v4;
	_ =	sdelay $0x1  }
0xce: {  	v3 =	vadd.s32 v1, v3;
	_ =	sdelay $0x2  }
0xcf: {  	[tilespmem:s26], [sflag:$0x1] =	stream.indirect_vreg.gather [hbm4b:s2+s3], $0x80, v4, vm0, $0xb8;
	[tilespmem:$0x10100] =	vst v63  }
0xd0: {  	_ = 	snop  }
0xd1: {  	[tilespmem:s28], [sflag:$0x1] =	stream.indirect_vreg.gather [hbm4b:s2+s3], $0x80, v3, vm0, $0xb8;
	[tilespmem:$0x10100] =	vst v63  }
0xd2: {  	_ =	swait.ge [sflag:s29], $0x8000  }
0xd3: {  	[sflag:s29] =	ssyncset.done $0x0  }
0xd4: {  	[sflag:s29] =	ssyncadd.s32 $0xFFFF8000  }
0xd5: {  	_ =	swait.ge [sflag:s29], $0x8000  }
0xd6: {  	[sflag:s29] =	ssyncset.done $0x0  }
0xd7: {  	[sflag:s29] =	ssyncadd.s32 $0xFFFF8000  }
0xd8: {  	[hbm4b:s7+s3] =	stream.linear.scatter [tilespmem:s12], [sflag:$0x2], $0x8000, $0x38;
	[tilespmem:$0x10100] =	vst v63  }
0xd9: {  	_ =	swait.ge [sflag:s11], $0x8000  }
0xda: {  	p0 =	sne.s32 s5, $0x1;
	[sflag:s11] =	ssyncset.done $0x0  }
.Ltmp0:
0xdb: {  	[sflag:s11] =	ssyncadd.s32 $0xFFFF8000;
	(pc) =	sbr.rel @p0 .LBB2_2-.Ltmp0, $4  }
0xdc: {  	[hbm4b:s8+s3] =	stream.linear.scatter [tilespmem:s13], [sflag:$0x2], $0x8000, $0x38;
	[tilespmem:$0x10100] =	vst v63  }
0xdd: {  	s9 =	sadd.s32 $0x10, s9;
	_ =	swait.ge [sflag:s11], $0x8000  }
0xde: {  	s5 =	sadd.s32 $0xFFFFFFFF, s5;
	s31 =	sadd.s32 $0x10, s31;
	[sflag:s11] =	ssyncset.done $0x0  }
0xdf: {  	s7 =	sadd.s32 $0x1000, s7;
	s8 =	sadd.s32 $0x1000, s8;
	[sflag:s11] =	ssyncadd.s32 $0xFFFF8000  }
0xe0: {  	s30 =	sadd.s32 $0x1, s30;
	s0 =	rddreg [dreg:$0x15]  }
0xe1: {  	p0 =	sne.s32 s30, s0  }
.Ltmp1:
0xe2: {  	_ = 	snop;
	(pc) =	sbr.rel @p0 .LBB2_1-.Ltmp1, $1  }
0xe3: {  	_ =	sdelay $0x3  }
0xe4: {  	_ =	sfence.sel $0x180000  }
0xe5: {  	[bflag:$0x0] =	sbarrier.arrive $0xFFFF  }
0xe6: {  	_ =	strace $0x90000047  }
0xe7: {  	s0 =	stileid.u32;
	[bflag:$0x2] =	sbarrier.arrive $0xFFFF  }
0xe8: {  	p0 =	sne.s32 s0, $0x0;
	s0 =	rddreg [dreg:$0x3]  }
0xe9: {  	s0 =	sadd.s32 @!p0 $0x100000, s0  }
0xea: {  	[sflag:s0] =	ssyncadd.tile.s32 @!p0 $0x1;
	_ =	shalt  }
.Lfunc_end2:
_tile_overlayer_lowered:
.L_overlay_start_2:
0xeb: {  	(tag) =	ssettag $0x2  }
0xec: {  	s0 =	rddreg [dreg:$0x0];
	s2 =	stileid.u32  }
0xed: {  	s1 =	rddreg [dreg:$0x1];
	p0 =	sne.s32 s2, $0x0  }
0xee: {  	s3 =	rddreg [dreg:$0x2];
	[bflag:$0x3] =	sbarrier.arrive $0xFFFF;
	s2 =	simm.s32 @!p0 $0x1C02  }
0xef: {  	[timem:s3], [sflag:s2] =	dma.local @!p0 [hbm:s0], s1  }
0xf0: {  	s0 =	simm.s32 @!p0 $0x2  }
0xf1: {  	_ =	swait.ge @!p0 [sflag:s0], s1  }
0xf2: {  	s1 =	ssub.s32 @!p0 $0x0, s1;
	[sflag:s0] =	ssyncset.done @!p0 $0x0  }
0xf3: {  	[sflag:s0] =	ssyncadd.s32 @!p0 s1  }
0xf4: {  	[bflag:$0x3] =	sbarrier.arrive $0xFFFF  }
0xf5: {  	_ =	shalt  }

</sc_bundles>
